<compile_context>
chip_gen: v7x
topology: tpu7x:2x2x1
jax: 0.10.2.dev20260603
libtpu: 0.0.44.dev20260713+nightly
codegen_flags: <defaults>
</compile_context>

<pallas_src>
import functools

import jax
import jax.numpy as jnp
from jax import lax
from jax.experimental import pallas as pl
from jax.experimental.pallas import tpu as pltpu
from jax.experimental.pallas import tpu_sc as plsc

N_PTS = 320000
N_SEG = 10000
D_FEAT = 128
NLANE = D_FEAT // 16

CPDMA = 2048
CP = CPDMA - 128
CPSTG = CPDMA + 16
CIDMA = CPDMA + 128
SDMA = 512
CX = 256
CXDMA = CX + 8
XIDMA = 512
IDX_PAD = 4096
NCHP = 8
NCHX = 56

_NEG_INF = float("-inf")
_SENTINEL = N_SEG + 999


def _rsqrt_f32(v):
    bits = lax.bitcast_convert_type(v, jnp.int32)
    y = lax.bitcast_convert_type(
        jnp.int32(0x5F3759DF) - (bits >> 1), jnp.float32)
    for _ in range(3):
        y = y * (1.5 - 0.5 * v * y * y)
    return y


def _ld(ref, i):
    return ref[pl.ds(i, 16)][0]


def _sc_body(spw, px, py, pz, xf, starts_h, idx_h, outx_h, out4_h,
             starts_v, spx, spy, spz, sidx, xstg, xidx, outx_v, out4_v,
             sumx_v, sumy_v, sumz_v, maxx_v, maxy_v, maxz_v,
             cenx_v, ceny_v, cenz_v, radr_v, dsem):
    nc = 2
    wid = lax.axis_index("s") * nc + lax.axis_index("c")
    seg_lo = pl.multiple_of(wid * spw, 8)

    lanes = lax.iota(jnp.int32, 16)
    zeros16 = jnp.zeros((16,), jnp.float32)
    ninf16 = jnp.full((16,), _NEG_INF, jnp.float32)

    sbase = pl.multiple_of(seg_lo & ~jnp.int32(127), 128)
    soff = seg_lo - sbase
    pltpu.async_copy(starts_h.at[pl.ds(sbase, SDMA)],
                     starts_v.at[pl.ds(0, SDMA)], dsem).wait()

    p0 = _ld(starts_v, soff)
    p1 = _ld(starts_v, soff + spw)

    def _init(s, _):
        s16 = pl.ds(s * 16, 16)
        sumx_v[s16] = zeros16
        sumy_v[s16] = zeros16
        sumz_v[s16] = zeros16
        maxx_v[s16] = ninf16
        maxy_v[s16] = ninf16
        maxz_v[s16] = ninf16
        for j in range(NLANE):
            outx_v[s, pl.ds(16 * j, 16)] = ninf16
        return 0
    lax.fori_loop(0, spw, _init, 0)

    m0_16 = lanes == 0

    @pl.loop(0, NCHP,
             init_carry=(zeros16, zeros16, zeros16, ninf16, ninf16, ninf16))
    def p1_chunk(k, carry):
        ax, ay, az, qx, qy, qz = carry
        base = p0 + k * CP
        nrows = jnp.minimum(CP, p1 - base)
        base_dma = pl.multiple_of(
            jnp.minimum(base & ~jnp.int32(127), N_PTS - CPDMA), 128)
        shift = base - base_dma
        pltpu.async_copy(px.at[pl.ds(base_dma, CPDMA)],
                         spx.at[pl.ds(0, CPDMA)], dsem).wait()
        pltpu.async_copy(py.at[pl.ds(base_dma, CPDMA)],
                         spy.at[pl.ds(0, CPDMA)], dsem).wait()
        pltpu.async_copy(pz.at[pl.ds(base_dma, CPDMA)],
                         spz.at[pl.ds(0, CPDMA)], dsem).wait()
        pltpu.async_copy(idx_h.at[pl.ds(base_dma, CIDMA)],
                         sidx.at[pl.ds(0, CIDMA)], dsem).wait()

        def row_body(r, c):
            ax, ay, az, qx, qy, qz = c
            valid = r < nrows
            q = jnp.minimum(r + shift, CPDMA)
            id0 = _ld(sidx, q)
            id1 = _ld(sidx, q + 1)
            vx = spx[pl.ds(q, 16)]
            vy = spy[pl.ds(q, 16)]
            vz = spz[pl.ds(q, 16)]
            ax = jnp.where(valid, ax + jnp.where(m0_16, vx, zeros16), ax)
            ay = jnp.where(valid, ay + jnp.where(m0_16, vy, zeros16), ay)
            az = jnp.where(valid, az + jnp.where(m0_16, vz, zeros16), az)
            qx = jnp.where(valid,
                           jnp.maximum(qx, jnp.where(m0_16, vx, ninf16)), qx)
            qy = jnp.where(valid,
                           jnp.maximum(qy, jnp.where(m0_16, vy, ninf16)), qy)
            qz = jnp.where(valid,
                           jnp.maximum(qz, jnp.where(m0_16, vz, ninf16)), qz)
            ends = valid & (id1 != id0)

            @pl.when(ends)
            def _flush():
                s16 = pl.ds((id0 - seg_lo) * 16, 16)
                sumx_v[s16] = sumx_v[s16] + ax
                sumy_v[s16] = sumy_v[s16] + ay
                sumz_v[s16] = sumz_v[s16] + az
                maxx_v[s16] = jnp.maximum(maxx_v[s16], qx)
                maxy_v[s16] = jnp.maximum(maxy_v[s16], qy)
                maxz_v[s16] = jnp.maximum(maxz_v[s16], qz)

            ax = jnp.where(ends, zeros16, ax)
            ay = jnp.where(ends, zeros16, ay)
            az = jnp.where(ends, zeros16, az)
            qx = jnp.where(ends, ninf16, qx)
            qy = jnp.where(ends, ninf16, qy)
            qz = jnp.where(ends, ninf16, qz)
            return ax, ay, az, qx, qy, qz

        return lax.fori_loop(0, CP, row_body, (ax, ay, az, qx, qy, qz))

    def cen_body(s, _):
        a = _ld(starts_v, soff + s)
        b = _ld(starts_v, soff + s + 1)
        rcp = 1.0 / jnp.maximum(
            jnp.full((16,), (b - a).astype(jnp.float32)), 1.0)
        cenx_v[pl.ds(s, 16)] = jnp.full((16,), _ld(sumx_v, s * 16)) * rcp
        ceny_v[pl.ds(s, 16)] = jnp.full((16,), _ld(sumy_v, s * 16)) * rcp
        cenz_v[pl.ds(s, 16)] = jnp.full((16,), _ld(sumz_v, s * 16)) * rcp
        return 0
    lax.fori_loop(0, spw, cen_body, 0)

    def _rinit(s, _):
        sumx_v[pl.ds(s * 16, 16)] = ninf16
        return 0
    lax.fori_loop(0, spw, _rinit, 0)

    @pl.loop(0, NCHP, init_carry=ninf16)
    def p2_chunk(k, mr):
        base = p0 + k * CP
        nrows = jnp.minimum(CP, p1 - base)
        base_dma = pl.multiple_of(
            jnp.minimum(base & ~jnp.int32(127), N_PTS - CPDMA), 128)
        shift = base - base_dma
        pltpu.async_copy(px.at[pl.ds(base_dma, CPDMA)],
                         spx.at[pl.ds(0, CPDMA)], dsem).wait()
        pltpu.async_copy(py.at[pl.ds(base_dma, CPDMA)],
                         spy.at[pl.ds(0, CPDMA)], dsem).wait()
        pltpu.async_copy(pz.at[pl.ds(base_dma, CPDMA)],
                         spz.at[pl.ds(0, CPDMA)], dsem).wait()
        pltpu.async_copy(idx_h.at[pl.ds(base_dma, CIDMA)],
                         sidx.at[pl.ds(0, CIDMA)], dsem).wait()

        def row_body(r, mr):
            valid = r < nrows
            q = jnp.minimum(r + shift, CPDMA)
            id0 = _ld(sidx, q)
            id1 = _ld(sidx, q + 1)
            sl = jnp.minimum(jnp.maximum(id0 - seg_lo, 0), spw - 1)
            cx = _ld(cenx_v, sl)
            cy = _ld(ceny_v, sl)
            cz = _ld(cenz_v, sl)
            dx = spx[pl.ds(q, 16)] - cx
            dy = spy[pl.ds(q, 16)] - cy
            dz = spz[pl.ds(q, 16)] - cz
            r2 = dx * dx + dy * dy + dz * dz
            mr = jnp.where(
                valid, jnp.maximum(mr, jnp.where(m0_16, r2, ninf16)), mr)
            ends = valid & (id1 != id0)

            @pl.when(ends)
            def _flush():
                s16 = pl.ds(sl * 16, 16)
                sumx_v[s16] = jnp.maximum(sumx_v[s16], mr)

            return jnp.where(ends, ninf16, mr)

        return lax.fori_loop(0, CP, row_body, mr)

    def rad_body(s, _):
        a = _ld(starts_v, soff + s)
        b = _ld(starts_v, soff + s + 1)
        ne = b > a
        r2 = jnp.full((16,), _ld(sumx_v, s * 16))
        r2 = jnp.where(ne, r2, 1.0) + 1e-12
        rad = jnp.where(ne, r2 * _rsqrt_f32(r2), 0.0)
        radr_v[pl.ds(s, 16)] = rad
        maxx_v[pl.ds(s, 16)] = jnp.full((16,), _ld(maxx_v, s * 16))
        maxy_v[pl.ds(s, 16)] = jnp.full((16,), _ld(maxy_v, s * 16))
        maxz_v[pl.ds(s, 16)] = jnp.full((16,), _ld(maxz_v, s * 16))
        return 0
    lax.fori_loop(0, spw, rad_body, 0)

    def out4_body(k, _):
        o = pl.ds(16 * k, 16)
        rad = radr_v[o]
        ne = rad > 0.0
        diam = 2.0 * rad
        inv = 1.0 / (diam + 1e-8)
        k16 = 16 * k
        out4_v[pl.ds(k16, 16)] = jnp.where(
            ne, (maxx_v[o] - cenx_v[o]) * inv, zeros16)
        out4_v[pl.ds(spw + k16, 16)] = jnp.where(
            ne, (maxy_v[o] - ceny_v[o]) * inv, zeros16)
        out4_v[pl.ds(2 * spw + k16, 16)] = jnp.where(
            ne, (maxz_v[o] - cenz_v[o]) * inv, zeros16)
        out4_v[pl.ds(3 * spw + k16, 16)] = diam
        return 0
    lax.fori_loop(0, spw // 16, out4_body, 0)

    @pl.loop(0, NCHX,
             init_carry=tuple(ninf16 for _ in range(NLANE)))
    def p3_chunk(k, accs):
        base = p0 + k * CX
        nrows = jnp.minimum(CX, p1 - base)
        base_dma = pl.multiple_of(
            jnp.minimum(base & ~jnp.int32(7), N_PTS - CXDMA), 8)
        shift = base - base_dma
        ibase = pl.multiple_of(
            jnp.minimum(base & ~jnp.int32(127), N_PTS + IDX_PAD - XIDMA), 128)
        ishift = base - ibase
        pltpu.async_copy(xf.at[pl.ds(base_dma, CXDMA), :], xstg, dsem).wait()
        pltpu.async_copy(idx_h.at[pl.ds(ibase, XIDMA)],
                         xidx.at[pl.ds(0, XIDMA)], dsem).wait()

        def row_body(r, accs):
            valid = r < nrows
            iq = r + ishift
            id0 = _ld(xidx, iq)
            id1 = _ld(xidx, iq + 1)
            rr = jnp.minimum(r + shift, CXDMA - 1)
            accs = tuple(
                jnp.where(valid,
                          jnp.maximum(accs[j], xstg[rr, pl.ds(16 * j, 16)]),
                          accs[j])
                for j in range(NLANE))
            ends = valid & (id1 != id0)

            @pl.when(ends)
            def _flush():
                sl = id0 - seg_lo
                for j in range(NLANE):
                    oj = pl.ds(16 * j, 16)
                    outx_v[sl, oj] = jnp.maximum(outx_v[sl, oj], accs[j])

            return tuple(jnp.where(ends, ninf16, a) for a in accs)

        return lax.fori_loop(0, CX, row_body, accs)

    def fin_body(s, _):
        a = _ld(starts_v, soff + s)
        b = _ld(starts_v, soff + s + 1)
        ne = b > a
        for j in range(NLANE):
            oj = pl.ds(16 * j, 16)
            outx_v[s, oj] = jnp.where(ne, outx_v[s, oj], zeros16)
        return 0
    lax.fori_loop(0, spw, fin_body, 0)

    pltpu.async_copy(outx_v, outx_h.at[pl.ds(seg_lo, spw), :], dsem).wait()
    pltpu.async_copy(
        out4_v,
        out4_h.at[pl.ds(pl.multiple_of(wid * 4 * spw, 8), 4 * spw)],
        dsem).wait()


def kernel(pos, x, idx):
    info = plsc.get_sparse_core_info()
    nw = info.num_cores * info.num_subcores
    spw = -(-N_SEG // nw)
    spw = -(-spw // 16) * 16
    nseg_pad = spw * nw

    seg_ids = jnp.arange(nseg_pad + 1, dtype=jnp.int32)
    starts = jnp.searchsorted(idx, seg_ids, side="left").astype(jnp.int32)
    pad = (nseg_pad - 128) // 128 * 128 + SDMA + 128 - (nseg_pad + 1)
    starts = jnp.concatenate(
        [starts, jnp.full((pad,), N_PTS, jnp.int32)])
    idxp = jnp.concatenate(
        [idx, jnp.full((IDX_PAD,), _SENTINEL, jnp.int32)])

    px = pos[:, 0]
    py = pos[:, 1]
    pz = pos[:, 2]

    mesh = plsc.VectorSubcoreMesh(core_axis_name="c", subcore_axis_name="s")
    kfn = pl.kernel(
        functools.partial(_sc_body, spw),
        out_type=(
            jax.ShapeDtypeStruct((nseg_pad, D_FEAT), jnp.float32),
            jax.ShapeDtypeStruct((nw * 4 * spw,), jnp.float32),
        ),
        mesh=mesh,
        scratch_types=[
            pltpu.VMEM((SDMA + 16,), jnp.int32),
            pltpu.VMEM((CPSTG,), jnp.float32),
            pltpu.VMEM((CPSTG,), jnp.float32),
            pltpu.VMEM((CPSTG,), jnp.float32),
            pltpu.VMEM((CIDMA + 16,), jnp.int32),
            pltpu.VMEM((CXDMA, D_FEAT), jnp.float32),
            pltpu.VMEM((XIDMA + 16,), jnp.int32),
            pltpu.VMEM((spw, D_FEAT), jnp.float32),
            pltpu.VMEM((4 * spw,), jnp.float32),
            pltpu.VMEM((spw * 16,), jnp.float32),
            pltpu.VMEM((spw * 16,), jnp.float32),
            pltpu.VMEM((spw * 16,), jnp.float32),
            pltpu.VMEM((spw * 16,), jnp.float32),
            pltpu.VMEM((spw * 16,), jnp.float32),
            pltpu.VMEM((spw * 16,), jnp.float32),
            pltpu.VMEM((spw + 16,), jnp.float32),
            pltpu.VMEM((spw + 16,), jnp.float32),
            pltpu.VMEM((spw + 16,), jnp.float32),
            pltpu.VMEM((spw + 16,), jnp.float32),
            pltpu.SemaphoreType.DMA,
        ],
    )
    outx, out4f = kfn(px, py, pz, x, starts, idxp)
    out4 = out4f.reshape(nw, 4, spw).transpose(1, 0, 2).reshape(4, nseg_pad)
    x_global = jnp.concatenate(
        [outx[:N_SEG],
         out4[0:3, :N_SEG].T,
         out4[3:4, :N_SEG].T], axis=1)
    return x_global

# --- scband reference (transcript-rebuilt; emitter-appended) ---
"""Pipeline reference for scband-ne-st-24730421691150 (READ-ONLY COPY).

The authoritative reference and input builder live on the scoring server;
editing this copy changes nothing except your own understanding.
"""

import jax, jax.numpy as jnp
import numpy as np

NUM_SEGMENTS = 10000
N_POINTS = 320000
D_FEAT = 128


def setup_inputs(seed: int = 0) -> dict:
    key = jax.random.key(seed)
    k1, k2, k3 = jax.random.split(key, 3)
    pos = jax.random.normal(k1, (N_POINTS, 3), dtype=jnp.float32)
    x = jax.random.normal(k2, (N_POINTS, D_FEAT), dtype=jnp.float32)
    idx = jnp.sort(jax.random.randint(k3, (N_POINTS,), 0, NUM_SEGMENTS)).astype(jnp.int32)
    return {"pos": pos, "x": x, "idx": idx}


def _segment_unit_norm(pos, idx, num_segments):
    # Center each segment at its centroid and scale by segment diameter.
    ones = jnp.ones((pos.shape[0],), dtype=pos.dtype)
    counts = jax.ops.segment_sum(ones, idx, num_segments=num_segments)
    sums = jax.ops.segment_sum(pos, idx, num_segments=num_segments)
    centers = sums / jnp.maximum(counts, 1.0)[:, None]
    centered = pos - centers[idx]
    r = jnp.sqrt(jnp.sum(centered * centered, axis=1) + 1e-12)
    radius = jax.ops.segment_max(r, idx, num_segments=num_segments)
    radius = jnp.where(jnp.isfinite(radius), radius, 0.0)
    diameter = 2.0 * radius
    pos_n = centered / (diameter[idx][:, None] + 1e-8)
    return pos_n, diameter


def reference(pos, x, idx):
    num_segments = NUM_SEGMENTS
    pos_n, diameter = _segment_unit_norm(pos, idx, num_segments)
    feat = jnp.concatenate([x, pos_n], axis=1)
    # pool with reduce='max' (segment max-pool)
    pooled = jax.ops.segment_max(feat, idx, num_segments=num_segments)
    pooled = jnp.where(jnp.isfinite(pooled), pooled, 0.0)
    x_global = jnp.concatenate([pooled, diameter[:, None]], axis=1)
    # local_nn / global_nn / head are None in this configuration -> identity
    return x_global

if __name__ == "__main__":
    import jax
    _d = setup_inputs()
    print(jax.jit(kernel)(*tuple(_d.values())))

</pallas_src>

<mosaic_0001>
#map = affine_map<(d0, d1) -> (0)>
#map1 = affine_map<(d0, d1) -> (0, 0)>
module attributes {stable_mosaic.version = 14 : i64} {
  func.func @_sc_body(%arg0: i32, %arg1: i32, %arg2: memref<320000xf32, #tpu.memory_space<hbm>>, %arg3: memref<320000xf32, #tpu.memory_space<hbm>>, %arg4: memref<320000xf32, #tpu.memory_space<hbm>>, %arg5: memref<320000x128xf32, #tpu.memory_space<hbm>>, %arg6: memref<10752xi32, #tpu.memory_space<hbm>>, %arg7: memref<324096xi32, #tpu.memory_space<hbm>>, %arg8: memref<10240x128xf32, #tpu.memory_space<hbm>>, %arg9: memref<40960xf32, #tpu.memory_space<hbm>>, %arg10: memref<528xi32, #tpu.memory_space<vmem>>, %arg11: memref<2064xf32, #tpu.memory_space<vmem>>, %arg12: memref<2064xf32, #tpu.memory_space<vmem>>, %arg13: memref<2064xf32, #tpu.memory_space<vmem>>, %arg14: memref<2192xi32, #tpu.memory_space<vmem>>, %arg15: memref<264x128xf32, #tpu.memory_space<vmem>>, %arg16: memref<528xi32, #tpu.memory_space<vmem>>, %arg17: memref<320x128xf32, #tpu.memory_space<vmem>>, %arg18: memref<1280xf32, #tpu.memory_space<vmem>>, %arg19: memref<5120xf32, #tpu.memory_space<vmem>>, %arg20: memref<5120xf32, #tpu.memory_space<vmem>>, %arg21: memref<5120xf32, #tpu.memory_space<vmem>>, %arg22: memref<5120xf32, #tpu.memory_space<vmem>>, %arg23: memref<5120xf32, #tpu.memory_space<vmem>>, %arg24: memref<5120xf32, #tpu.memory_space<vmem>>, %arg25: memref<336xf32, #tpu.memory_space<vmem>>, %arg26: memref<336xf32, #tpu.memory_space<vmem>>, %arg27: memref<336xf32, #tpu.memory_space<vmem>>, %arg28: memref<336xf32, #tpu.memory_space<vmem>>, %arg29: memref<!tpu.dma_semaphore, #tpu.memory_space<semaphore_mem>>) attributes {dimension_semantics = [#tpu.dimension_semantics<core_parallel>, #tpu.dimension_semantics<subcore_parallel>], iteration_bounds = array<i64: 2, 16>, scalar_prefetch = 0 : i64, scratch_operands = 20 : i64, tpu.core_type = #tpu.core_type<sc_vector_subcore>, window_params = [{transform_indices = #map}, {transform_indices = #map}, {transform_indices = #map}, {transform_indices = #map1}, {transform_indices = #map}, {transform_indices = #map}, {transform_indices = #map1}, {transform_indices = #map}]} {
    %mul3A = arith.constant 2 : i32
    %mul3A_0 = arith.muli %arg1, %mul3A : i32
    %add3A = arith.addi %mul3A_0, %arg0 : i32
    %mul3A_1 = arith.constant 320 : i32
    %mul3A_2 = arith.muli %add3A, %mul3A_1 : i32
    %multiple_of3A = tpu.assume_multiple %mul3A_2, 8 : i32
    %iota3A = tpu.iota {dimensions = array<i32: 0>} : vector<16xi32>
    %broadcast_in_dim3A = arith.constant 0.000000e+00 : f32
    %broadcast_in_dim3A_3 = vector.broadcast %broadcast_in_dim3A : f32 to vector<16xf32>
    %broadcast_in_dim3A_4 = arith.constant 0xFF800000 : f32
    %broadcast_in_dim3A_5 = vector.broadcast %broadcast_in_dim3A_4 : f32 to vector<16xf32>
    %not3A = arith.constant 127 : i32
    %not3A_6 = arith.constant -1 : i32
    %not3A_7 = arith.xori %not3A, %not3A_6 : i32
    %and3A = arith.andi %multiple_of3A, %not3A_7 : i32
    %multiple_of3A_8 = tpu.assume_multiple %and3A, 128 : i32
    %sub3A = arith.subi %multiple_of3A, %multiple_of3A_8 : i32
    %dma_start3A = arith.constant 0 : i32
    %dma_start3A_9 = tpu.memref_slice %arg10[%dma_start3A] : memref<528xi32, #tpu.memory_space<vmem>> -> memref<512xi32, #tpu.memory_space<vmem>>
    %dma_start3A_10 = tpu.memref_slice %arg6[%multiple_of3A_8] : memref<10752xi32, #tpu.memory_space<hbm>> -> memref<512xi32, #tpu.memory_space<hbm>>
    %dma_start3A_11 = arith.constant 0 : i32
    %dma_start3A_12 = tpu.memref_slice %arg10[%dma_start3A_11] : memref<528xi32, #tpu.memory_space<vmem>> -> memref<512xi32, #tpu.memory_space<vmem>>
    %dma_start3A_13 = tpu.memref_slice %arg6[%multiple_of3A_8] : memref<10752xi32, #tpu.memory_space<hbm>> -> memref<512xi32, #tpu.memory_space<hbm>>
    tpu.enqueue_dma source(%dma_start3A_13 : memref<512xi32, #tpu.memory_space<hbm>>) target(%dma_start3A_12 : memref<512xi32, #tpu.memory_space<vmem>>) target_semaphore(%arg29 : memref<!tpu.dma_semaphore, #tpu.memory_space<semaphore_mem>>)
    %dma_wait3A = arith.constant 0 : i32
    %dma_wait3A_14 = tpu.memref_slice %arg10[%dma_wait3A] : memref<528xi32, #tpu.memory_space<vmem>> -> memref<512xi32, #tpu.memory_space<vmem>>
    %dma_wait3A_15 = tpu.memref_slice %arg6[%multiple_of3A_8] : memref<10752xi32, #tpu.memory_space<hbm>> -> memref<512xi32, #tpu.memory_space<hbm>>
    %dma_wait3A_16 = arith.constant 0 : i32
    %dma_wait3A_17 = tpu.memref_slice %arg10[%dma_wait3A_16] : memref<528xi32, #tpu.memory_space<vmem>> -> memref<512xi32, #tpu.memory_space<vmem>>
    %dma_wait3A_18 = tpu.memref_slice %arg6[%multiple_of3A_8] : memref<10752xi32, #tpu.memory_space<hbm>> -> memref<512xi32, #tpu.memory_space<hbm>>
    tpu.wait_dma2 semaphore(%arg29 : memref<!tpu.dma_semaphore, #tpu.memory_space<semaphore_mem>>) src(%dma_wait3A_18 : memref<512xi32, #tpu.memory_space<hbm>>) dst(%dma_wait3A_17 : memref<512xi32, #tpu.memory_space<vmem>>)
    %get3A = arith.index_cast %sub3A : i32 to index
    %get3A_19 = tpu.vector_load %arg10[%get3A] {strides = array<i32>} : memref<528xi32, #tpu.memory_space<vmem>>, vector<16xi32>,
    %get3A_20 = vector.shape_cast %get3A_19 : vector<16xi32> to vector<16xi32>
    %slice3A = vector.extract_strided_slice %get3A_20 {offsets = [0], sizes = [1], strides = [1]} : vector<16xi32> to vector<1xi32>
    %squeeze3A = vector.extract %slice3A[0] : i32 from vector<1xi32>
    %add3A_21 = arith.constant 320 : i32
    %add3A_22 = arith.addi %sub3A, %add3A_21 : i32
    %get3A_23 = arith.index_cast %add3A_22 : i32 to index
    %get3A_24 = tpu.vector_load %arg10[%get3A_23] {strides = array<i32>} : memref<528xi32, #tpu.memory_space<vmem>>, vector<16xi32>,
    %get3A_25 = vector.shape_cast %get3A_24 : vector<16xi32> to vector<16xi32>
    %slice3A_26 = vector.extract_strided_slice %get3A_25 {offsets = [0], sizes = [1], strides = [1]} : vector<16xi32> to vector<1xi32>
    %squeeze3A_27 = vector.extract %slice3A_26[0] : i32 from vector<1xi32>
    %scan3A = arith.constant 0 : i32
    %scan3A_28 = arith.constant 0 : i32
    %scan3A_29 = arith.constant 320 : i32
    %scan3A_30 = arith.addi %scan3A_28, %scan3A_29 : i32
    %scan3A_31 = arith.constant 1 : i32
    %scan3A_32 = scf.for %scan3A_106 = %scan3A_28 to %scan3A_30 step %scan3A_31 iter_args(%scan3A_107 = %scan3A) -> (i32)  : i32 {
      %mul3A_108 = arith.constant 16 : i32
      %mul3A_109 = arith.muli %scan3A_106, %mul3A_108 : i32
      %swap3A = arith.index_cast %mul3A_109 : i32 to index
      %swap3A_110 = tpu.vector_load %arg19[%swap3A] {strides = array<i32>} : memref<5120xf32, #tpu.memory_space<vmem>>, vector<16xf32>,
      %swap3A_111 = vector.shape_cast %swap3A_110 : vector<16xf32> to vector<16xf32>
      %swap3A_112 = vector.shape_cast %broadcast_in_dim3A_3 : vector<16xf32> to vector<16xf32>
      tpu.vector_store %arg19[%swap3A], %swap3A_112 {strides = array<i32>} : memref<5120xf32, #tpu.memory_space<vmem>>, vector<16xf32>,
      %swap3A_113 = arith.index_cast %mul3A_109 : i32 to index
      %swap3A_114 = tpu.vector_load %arg20[%swap3A_113] {strides = array<i32>} : memref<5120xf32, #tpu.memory_space<vmem>>, vector<16xf32>,
      %swap3A_115 = vector.shape_cast %swap3A_114 : vector<16xf32> to vector<16xf32>
      %swap3A_116 = vector.shape_cast %broadcast_in_dim3A_3 : vector<16xf32> to vector<16xf32>
      tpu.vector_store %arg20[%swap3A_113], %swap3A_116 {strides = array<i32>} : memref<5120xf32, #tpu.memory_space<vmem>>, vector<16xf32>,
      %swap3A_117 = arith.index_cast %mul3A_109 : i32 to index
      %swap3A_118 = tpu.vector_load %arg21[%swap3A_117] {strides = array<i32>} : memref<5120xf32, #tpu.memory_space<vmem>>, vector<16xf32>,
      %swap3A_119 = vector.shape_cast %swap3A_118 : vector<16xf32> to vector<16xf32>
      %swap3A_120 = vector.shape_cast %broadcast_in_dim3A_3 : vector<16xf32> to vector<16xf32>
      tpu.vector_store %arg21[%swap3A_117], %swap3A_120 {strides = array<i32>} : memref<5120xf32, #tpu.memory_space<vmem>>, vector<16xf32>,
      %swap3A_121 = arith.index_cast %mul3A_109 : i32 to index
      %swap3A_122 = tpu.vector_load %arg22[%swap3A_121] {strides = array<i32>} : memref<5120xf32, #tpu.memory_space<vmem>>, vector<16xf32>,
      %swap3A_123 = vector.shape_cast %swap3A_122 : vector<16xf32> to vector<16xf32>
      %swap3A_124 = vector.shape_cast %broadcast_in_dim3A_5 : vector<16xf32> to vector<16xf32>
      tpu.vector_store %arg22[%swap3A_121], %swap3A_124 {strides = array<i32>} : memref<5120xf32, #tpu.memory_space<vmem>>, vector<16xf32>,
      %swap3A_125 = arith.index_cast %mul3A_109 : i32 to index
      %swap3A_126 = tpu.vector_load %arg23[%swap3A_125] {strides = array<i32>} : memref<5120xf32, #tpu.memory_space<vmem>>, vector<16xf32>,
      %swap3A_127 = vector.shape_cast %swap3A_126 : vector<16xf32> to vector<16xf32>
      %swap3A_128 = vector.shape_cast %broadcast_in_dim3A_5 : vector<16xf32> to vector<16xf32>
      tpu.vector_store %arg23[%swap3A_125], %swap3A_128 {strides = array<i32>} : memref<5120xf32, #tpu.memory_space<vmem>>, vector<16xf32>,
      %swap3A_129 = arith.index_cast %mul3A_109 : i32 to index
      %swap3A_130 = tpu.vector_load %arg24[%swap3A_129] {strides = array<i32>} : memref<5120xf32, #tpu.memory_space<vmem>>, vector<16xf32>,
      %swap3A_131 = vector.shape_cast %swap3A_130 : vector<16xf32> to vector<16xf32>
      %swap3A_132 = vector.shape_cast %broadcast_in_dim3A_5 : vector<16xf32> to vector<16xf32>
      tpu.vector_store %arg24[%swap3A_129], %swap3A_132 {strides = array<i32>} : memref<5120xf32, #tpu.memory_space<vmem>>, vector<16xf32>,
      %swap3A_133 = arith.index_cast %scan3A_106 : i32 to index
      %swap3A_134 = arith.constant 0 : index
      %swap3A_135 = tpu.vector_load %arg17[%swap3A_133, %swap3A_134] {strides = array<i32>} : memref<320x128xf32, #tpu.memory_space<vmem>>, vector<1x16xf32>,
      %swap3A_136 = vector.shape_cast %swap3A_135 : vector<1x16xf32> to vector<16xf32>
      %swap3A_137 = vector.shape_cast %broadcast_in_dim3A_5 : vector<16xf32> to vector<1x16xf32>
      tpu.vector_store %arg17[%swap3A_133, %swap3A_134], %swap3A_137 {strides = array<i32>} : memref<320x128xf32, #tpu.memory_space<vmem>>, vector<1x16xf32>,
      %swap3A_138 = arith.index_cast %scan3A_106 : i32 to index
      %swap3A_139 = arith.constant 16 : index
      %swap3A_140 = tpu.vector_load %arg17[%swap3A_138, %swap3A_139] {strides = array<i32>} : memref<320x128xf32, #tpu.memory_space<vmem>>, vector<1x16xf32>,
      %swap3A_141 = vector.shape_cast %swap3A_140 : vector<1x16xf32> to vector<16xf32>
      %swap3A_142 = vector.shape_cast %broadcast_in_dim3A_5 : vector<16xf32> to vector<1x16xf32>
      tpu.vector_store %arg17[%swap3A_138, %swap3A_139], %swap3A_142 {strides = array<i32>} : memref<320x128xf32, #tpu.memory_space<vmem>>, vector<1x16xf32>,
      %swap3A_143 = arith.index_cast %scan3A_106 : i32 to index
      %swap3A_144 = arith.constant 32 : index
      %swap3A_145 = tpu.vector_load %arg17[%swap3A_143, %swap3A_144] {strides = array<i32>} : memref<320x128xf32, #tpu.memory_space<vmem>>, vector<1x16xf32>,
      %swap3A_146 = vector.shape_cast %swap3A_145 : vector<1x16xf32> to vector<16xf32>
      %swap3A_147 = vector.shape_cast %broadcast_in_dim3A_5 : vector<16xf32> to vector<1x16xf32>
      tpu.vector_store %arg17[%swap3A_143, %swap3A_144], %swap3A_147 {strides = array<i32>} : memref<320x128xf32, #tpu.memory_space<vmem>>, vector<1x16xf32>,
      %swap3A_148 = arith.index_cast %scan3A_106 : i32 to index
      %swap3A_149 = arith.constant 48 : index
      %swap3A_150 = tpu.vector_load %arg17[%swap3A_148, %swap3A_149] {strides = array<i32>} : memref<320x128xf32, #tpu.memory_space<vmem>>, vector<1x16xf32>,
      %swap3A_151 = vector.shape_cast %swap3A_150 : vector<1x16xf32> to vector<16xf32>
      %swap3A_152 = vector.shape_cast %broadcast_in_dim3A_5 : vector<16xf32> to vector<1x16xf32>
      tpu.vector_store %arg17[%swap3A_148, %swap3A_149], %swap3A_152 {strides = array<i32>} : memref<320x128xf32, #tpu.memory_space<vmem>>, vector<1x16xf32>,
      %swap3A_153 = arith.index_cast %scan3A_106 : i32 to index
      %swap3A_154 = arith.constant 64 : index
      %swap3A_155 = tpu.vector_load %arg17[%swap3A_153, %swap3A_154] {strides = array<i32>} : memref<320x128xf32, #tpu.memory_space<vmem>>, vector<1x16xf32>,
      %swap3A_156 = vector.shape_cast %swap3A_155 : vector<1x16xf32> to vector<16xf32>
      %swap3A_157 = vector.shape_cast %broadcast_in_dim3A_5 : vector<16xf32> to vector<1x16xf32>
      tpu.vector_store %arg17[%swap3A_153, %swap3A_154], %swap3A_157 {strides = array<i32>} : memref<320x128xf32, #tpu.memory_space<vmem>>, vector<1x16xf32>,
      %swap3A_158 = arith.index_cast %scan3A_106 : i32 to index
      %swap3A_159 = arith.constant 80 : index
      %swap3A_160 = tpu.vector_load %arg17[%swap3A_158, %swap3A_159] {strides = array<i32>} : memref<320x128xf32, #tpu.memory_space<vmem>>, vector<1x16xf32>,
      %swap3A_161 = vector.shape_cast %swap3A_160 : vector<1x16xf32> to vector<16xf32>
      %swap3A_162 = vector.shape_cast %broadcast_in_dim3A_5 : vector<16xf32> to vector<1x16xf32>
      tpu.vector_store %arg17[%swap3A_158, %swap3A_159], %swap3A_162 {strides = array<i32>} : memref<320x128xf32, #tpu.memory_space<vmem>>, vector<1x16xf32>,
      %swap3A_163 = arith.index_cast %scan3A_106 : i32 to index
      %swap3A_164 = arith.constant 96 : index
      %swap3A_165 = tpu.vector_load %arg17[%swap3A_163, %swap3A_164] {strides = array<i32>} : memref<320x128xf32, #tpu.memory_space<vmem>>, vector<1x16xf32>,
      %swap3A_166 = vector.shape_cast %swap3A_165 : vector<1x16xf32> to vector<16xf32>
      %swap3A_167 = vector.shape_cast %broadcast_in_dim3A_5 : vector<16xf32> to vector<1x16xf32>
      tpu.vector_store %arg17[%swap3A_163, %swap3A_164], %swap3A_167 {strides = array<i32>} : memref<320x128xf32, #tpu.memory_space<vmem>>, vector<1x16xf32>,
      %swap3A_168 = arith.index_cast %scan3A_106 : i32 to index
      %swap3A_169 = arith.constant 112 : index
      %swap3A_170 = tpu.vector_load %arg17[%swap3A_168, %swap3A_169] {strides = array<i32>} : memref<320x128xf32, #tpu.memory_space<vmem>>, vector<1x16xf32>,
      %swap3A_171 = vector.shape_cast %swap3A_170 : vector<1x16xf32> to vector<16xf32>
      %swap3A_172 = vector.shape_cast %broadcast_in_dim3A_5 : vector<16xf32> to vector<1x16xf32>
      tpu.vector_store %arg17[%swap3A_168, %swap3A_169], %swap3A_172 {strides = array<i32>} : memref<320x128xf32, #tpu.memory_space<vmem>>, vector<1x16xf32>,
      %scan3A_173 = arith.constant 0 : i32
      scf.yield %scan3A_173 : i32
    }
    %scan3A_33 = arith.constant 320 : i32
    %eq3A = arith.constant 0 : i32
    %eq3A_34 = vector.broadcast %eq3A : i32 to vector<16xi32>
    %eq3A_35 = arith.cmpi eq, %iota3A, %eq3A_34 : vector<16xi32>
    %scan3A_36 = arith.constant 0 : i32
    %scan3A_37 = arith.constant 8 : i32
    %scan3A_38 = arith.addi %scan3A_36, %scan3A_37 : i32
    %scan3A_39 = arith.constant 1 : i32
    %scan3A_40:6 = scf.for %scan3A_106 = %scan3A_36 to %scan3A_38 step %scan3A_39 iter_args(%scan3A_107 = %broadcast_in_dim3A_3, %scan3A_108 = %broadcast_in_dim3A_3, %scan3A_109 = %broadcast_in_dim3A_3, %scan3A_110 = %broadcast_in_dim3A_5, %scan3A_111 = %broadcast_in_dim3A_5, %scan3A_112 = %broadcast_in_dim3A_5) -> (vector<16xf32>, vector<16xf32>, vector<16xf32>, vector<16xf32>, vector<16xf32>, vector<16xf32>)  : i32 {
      %mul3A_113 = arith.constant 1 : i32
      %mul3A_114 = arith.muli %scan3A_106, %mul3A_113 : i32
      %add3A_115 = arith.constant 0 : i32
      %add3A_116 = arith.addi %add3A_115, %mul3A_114 : i32
      %mul3A_117 = arith.constant 1920 : i32
      %mul3A_118 = arith.muli %add3A_116, %mul3A_117 : i32
      %add3A_119 = arith.addi %squeeze3A, %mul3A_118 : i32
      %sub3A_120 = arith.subi %squeeze3A_27, %add3A_119 : i32
      %min3A = arith.constant 1920 : i32
      %min3A_121 = arith.minsi %min3A, %sub3A_120 : i32
      %not3A_122 = arith.constant 127 : i32
      %not3A_123 = arith.constant -1 : i32
      %not3A_124 = arith.xori %not3A_122, %not3A_123 : i32
      %and3A_125 = arith.andi %add3A_119, %not3A_124 : i32
      %min3A_126 = arith.constant 317952 : i32
      %min3A_127 = arith.minsi %and3A_125, %min3A_126 : i32
      %multiple_of3A_128 = tpu.assume_multiple %min3A_127, 128 : i32
      %sub3A_129 = arith.subi %add3A_119, %multiple_of3A_128 : i32
      %dma_start3A_130 = arith.constant 0 : i32
      %dma_start3A_131 = tpu.memref_slice %arg11[%dma_start3A_130] : memref<2064xf32, #tpu.memory_space<vmem>> -> memref<2048xf32, #tpu.memory_space<vmem>>
      %dma_start3A_132 = tpu.memref_slice %arg2[%multiple_of3A_128] : memref<320000xf32, #tpu.memory_space<hbm>> -> memref<2048xf32, #tpu.memory_space<hbm>>
      %dma_start3A_133 = arith.constant 0 : i32
      %dma_start3A_134 = tpu.memref_slice %arg11[%dma_start3A_133] : memref<2064xf32, #tpu.memory_space<vmem>> -> memref<2048xf32, #tpu.memory_space<vmem>>
      %dma_start3A_135 = tpu.memref_slice %arg2[%multiple_of3A_128] : memref<320000xf32, #tpu.memory_space<hbm>> -> memref<2048xf32, #tpu.memory_space<hbm>>
      tpu.enqueue_dma source(%dma_start3A_135 : memref<2048xf32, #tpu.memory_space<hbm>>) target(%dma_start3A_134 : memref<2048xf32, #tpu.memory_space<vmem>>) target_semaphore(%arg29 : memref<!tpu.dma_semaphore, #tpu.memory_space<semaphore_mem>>)
      %dma_wait3A_136 = arith.constant 0 : i32
      %dma_wait3A_137 = tpu.memref_slice %arg11[%dma_wait3A_136] : memref<2064xf32, #tpu.memory_space<vmem>> -> memref<2048xf32, #tpu.memory_space<vmem>>
      %dma_wait3A_138 = tpu.memref_slice %arg2[%multiple_of3A_128] : memref<320000xf32, #tpu.memory_space<hbm>> -> memref<2048xf32, #tpu.memory_space<hbm>>
      %dma_wait3A_139 = arith.constant 0 : i32
      %dma_wait3A_140 = tpu.memref_slice %arg11[%dma_wait3A_139] : memref<2064xf32, #tpu.memory_space<vmem>> -> memref<2048xf32, #tpu.memory_space<vmem>>
      %dma_wait3A_141 = tpu.memref_slice %arg2[%multiple_of3A_128] : memref<320000xf32, #tpu.memory_space<hbm>> -> memref<2048xf32, #tpu.memory_space<hbm>>
      tpu.wait_dma2 semaphore(%arg29 : memref<!tpu.dma_semaphore, #tpu.memory_space<semaphore_mem>>) src(%dma_wait3A_141 : memref<2048xf32, #tpu.memory_space<hbm>>) dst(%dma_wait3A_140 : memref<2048xf32, #tpu.memory_space<vmem>>)
      %dma_start3A_142 = arith.constant 0 : i32
      %dma_start3A_143 = tpu.memref_slice %arg12[%dma_start3A_142] : memref<2064xf32, #tpu.memory_space<vmem>> -> memref<2048xf32, #tpu.memory_space<vmem>>
      %dma_start3A_144 = tpu.memref_slice %arg3[%multiple_of3A_128] : memref<320000xf32, #tpu.memory_space<hbm>> -> memref<2048xf32, #tpu.memory_space<hbm>>
      %dma_start3A_145 = arith.constant 0 : i32
      %dma_start3A_146 = tpu.memref_slice %arg12[%dma_start3A_145] : memref<2064xf32, #tpu.memory_space<vmem>> -> memref<2048xf32, #tpu.memory_space<vmem>>
      %dma_start3A_147 = tpu.memref_slice %arg3[%multiple_of3A_128] : memref<320000xf32, #tpu.memory_space<hbm>> -> memref<2048xf32, #tpu.memory_space<hbm>>
      tpu.enqueue_dma source(%dma_start3A_147 : memref<2048xf32, #tpu.memory_space<hbm>>) target(%dma_start3A_146 : memref<2048xf32, #tpu.memory_space<vmem>>) target_semaphore(%arg29 : memref<!tpu.dma_semaphore, #tpu.memory_space<semaphore_mem>>)
      %dma_wait3A_148 = arith.constant 0 : i32
      %dma_wait3A_149 = tpu.memref_slice %arg12[%dma_wait3A_148] : memref<2064xf32, #tpu.memory_space<vmem>> -> memref<2048xf32, #tpu.memory_space<vmem>>
      %dma_wait3A_150 = tpu.memref_slice %arg3[%multiple_of3A_128] : memref<320000xf32, #tpu.memory_space<hbm>> -> memref<2048xf32, #tpu.memory_space<hbm>>
      %dma_wait3A_151 = arith.constant 0 : i32
      %dma_wait3A_152 = tpu.memref_slice %arg12[%dma_wait3A_151] : memref<2064xf32, #tpu.memory_space<vmem>> -> memref<2048xf32, #tpu.memory_space<vmem>>
      %dma_wait3A_153 = tpu.memref_slice %arg3[%multiple_of3A_128] : memref<320000xf32, #tpu.memory_space<hbm>> -> memref<2048xf32, #tpu.memory_space<hbm>>
      tpu.wait_dma2 semaphore(%arg29 : memref<!tpu.dma_semaphore, #tpu.memory_space<semaphore_mem>>) src(%dma_wait3A_153 : memref<2048xf32, #tpu.memory_space<hbm>>) dst(%dma_wait3A_152 : memref<2048xf32, #tpu.memory_space<vmem>>)
      %dma_start3A_154 = arith.constant 0 : i32
      %dma_start3A_155 = tpu.memref_slice %arg13[%dma_start3A_154] : memref<2064xf32, #tpu.memory_space<vmem>> -> memref<2048xf32, #tpu.memory_space<vmem>>
      %dma_start3A_156 = tpu.memref_slice %arg4[%multiple_of3A_128] : memref<320000xf32, #tpu.memory_space<hbm>> -> memref<2048xf32, #tpu.memory_space<hbm>>
      %dma_start3A_157 = arith.constant 0 : i32
      %dma_start3A_158 = tpu.memref_slice %arg13[%dma_start3A_157] : memref<2064xf32, #tpu.memory_space<vmem>> -> memref<2048xf32, #tpu.memory_space<vmem>>
      %dma_start3A_159 = tpu.memref_slice %arg4[%multiple_of3A_128] : memref<320000xf32, #tpu.memory_space<hbm>> -> memref<2048xf32, #tpu.memory_space<hbm>>
      tpu.enqueue_dma source(%dma_start3A_159 : memref<2048xf32, #tpu.memory_space<hbm>>) target(%dma_start3A_158 : memref<2048xf32, #tpu.memory_space<vmem>>) target_semaphore(%arg29 : memref<!tpu.dma_semaphore, #tpu.memory_space<semaphore_mem>>)
      %dma_wait3A_160 = arith.constant 0 : i32
      %dma_wait3A_161 = tpu.memref_slice %arg13[%dma_wait3A_160] : memref<2064xf32, #tpu.memory_space<vmem>> -> memref<2048xf32, #tpu.memory_space<vmem>>
      %dma_wait3A_162 = tpu.memref_slice %arg4[%multiple_of3A_128] : memref<320000xf32, #tpu.memory_space<hbm>> -> memref<2048xf32, #tpu.memory_space<hbm>>
      %dma_wait3A_163 = arith.constant 0 : i32
      %dma_wait3A_164 = tpu.memref_slice %arg13[%dma_wait3A_163] : memref<2064xf32, #tpu.memory_space<vmem>> -> memref<2048xf32, #tpu.memory_space<vmem>>
      %dma_wait3A_165 = tpu.memref_slice %arg4[%multiple_of3A_128] : memref<320000xf32, #tpu.memory_space<hbm>> -> memref<2048xf32, #tpu.memory_space<hbm>>
      tpu.wait_dma2 semaphore(%arg29 : memref<!tpu.dma_semaphore, #tpu.memory_space<semaphore_mem>>) src(%dma_wait3A_165 : memref<2048xf32, #tpu.memory_space<hbm>>) dst(%dma_wait3A_164 : memref<2048xf32, #tpu.memory_space<vmem>>)
      %dma_start3A_166 = arith.constant 0 : i32
      %dma_start3A_167 = tpu.memref_slice %arg14[%dma_start3A_166] : memref<2192xi32, #tpu.memory_space<vmem>> -> memref<2176xi32, #tpu.memory_space<vmem>>
      %dma_start3A_168 = tpu.memref_slice %arg7[%multiple_of3A_128] : memref<324096xi32, #tpu.memory_space<hbm>> -> memref<2176xi32, #tpu.memory_space<hbm>>
      %dma_start3A_169 = arith.constant 0 : i32
      %dma_start3A_170 = tpu.memref_slice %arg14[%dma_start3A_169] : memref<2192xi32, #tpu.memory_space<vmem>> -> memref<2176xi32, #tpu.memory_space<vmem>>
      %dma_start3A_171 = tpu.memref_slice %arg7[%multiple_of3A_128] : memref<324096xi32, #tpu.memory_space<hbm>> -> memref<2176xi32, #tpu.memory_space<hbm>>
      tpu.enqueue_dma source(%dma_start3A_171 : memref<2176xi32, #tpu.memory_space<hbm>>) target(%dma_start3A_170 : memref<2176xi32, #tpu.memory_space<vmem>>) target_semaphore(%arg29 : memref<!tpu.dma_semaphore, #tpu.memory_space<semaphore_mem>>)
      %dma_wait3A_172 = arith.constant 0 : i32
      %dma_wait3A_173 = tpu.memref_slice %arg14[%dma_wait3A_172] : memref<2192xi32, #tpu.memory_space<vmem>> -> memref<2176xi32, #tpu.memory_space<vmem>>
      %dma_wait3A_174 = tpu.memref_slice %arg7[%multiple_of3A_128] : memref<324096xi32, #tpu.memory_space<hbm>> -> memref<2176xi32, #tpu.memory_space<hbm>>
      %dma_wait3A_175 = arith.constant 0 : i32
      %dma_wait3A_176 = tpu.memref_slice %arg14[%dma_wait3A_175] : memref<2192xi32, #tpu.memory_space<vmem>> -> memref<2176xi32, #tpu.memory_space<vmem>>
      %dma_wait3A_177 = tpu.memref_slice %arg7[%multiple_of3A_128] : memref<324096xi32, #tpu.memory_space<hbm>> -> memref<2176xi32, #tpu.memory_space<hbm>>
      tpu.wait_dma2 semaphore(%arg29 : memref<!tpu.dma_semaphore, #tpu.memory_space<semaphore_mem>>) src(%dma_wait3A_177 : memref<2176xi32, #tpu.memory_space<hbm>>) dst(%dma_wait3A_176 : memref<2176xi32, #tpu.memory_space<vmem>>)
      %scan3A_178 = arith.constant 0 : i32
      %scan3A_179 = arith.constant 1920 : i32
      %scan3A_180 = arith.addi %scan3A_178, %scan3A_179 : i32
      %scan3A_181 = arith.constant 1 : i32
      %scan3A_182:6 = scf.for %scan3A_184 = %scan3A_178 to %scan3A_180 step %scan3A_181 iter_args(%scan3A_185 = %scan3A_107, %scan3A_186 = %scan3A_108, %scan3A_187 = %scan3A_109, %scan3A_188 = %scan3A_110, %scan3A_189 = %scan3A_111, %scan3A_190 = %scan3A_112) -> (vector<16xf32>, vector<16xf32>, vector<16xf32>, vector<16xf32>, vector<16xf32>, vector<16xf32>)  : i32 {
        %lt3A = arith.cmpi slt, %scan3A_184, %min3A_121 : i32
        %add3A_191 = arith.addi %scan3A_184, %sub3A_129 : i32
        %min3A_192 = arith.constant 2048 : i32
        %min3A_193 = arith.minsi %add3A_191, %min3A_192 : i32
        %get3A_194 = arith.index_cast %min3A_193 : i32 to index
        %get3A_195 = tpu.vector_load %arg14[%get3A_194] {strides = array<i32>} : memref<2192xi32, #tpu.memory_space<vmem>>, vector<16xi32>,
        %get3A_196 = vector.shape_cast %get3A_195 : vector<16xi32> to vector<16xi32>
        %slice3A_197 = vector.extract_strided_slice %get3A_196 {offsets = [0], sizes = [1], strides = [1]} : vector<16xi32> to vector<1xi32>
        %squeeze3A_198 = vector.extract %slice3A_197[0] : i32 from vector<1xi32>
        %add3A_199 = arith.constant 1 : i32
        %add3A_200 = arith.addi %min3A_193, %add3A_199 : i32
        %get3A_201 = arith.index_cast %add3A_200 : i32 to index
        %get3A_202 = tpu.vector_load %arg14[%get3A_201] {strides = array<i32>} : memref<2192xi32, #tpu.memory_space<vmem>>, vector<16xi32>,
        %get3A_203 = vector.shape_cast %get3A_202 : vector<16xi32> to vector<16xi32>
        %slice3A_204 = vector.extract_strided_slice %get3A_203 {offsets = [0], sizes = [1], strides = [1]} : vector<16xi32> to vector<1xi32>
        %squeeze3A_205 = vector.extract %slice3A_204[0] : i32 from vector<1xi32>
        %get3A_206 = arith.index_cast %min3A_193 : i32 to index
        %get3A_207 = tpu.vector_load %arg11[%get3A_206] {strides = array<i32>} : memref<2064xf32, #tpu.memory_space<vmem>>, vector<16xf32>,
        %get3A_208 = vector.shape_cast %get3A_207 : vector<16xf32> to vector<16xf32>
        %get3A_209 = arith.index_cast %min3A_193 : i32 to index
        %get3A_210 = tpu.vector_load %arg12[%get3A_209] {strides = array<i32>} : memref<2064xf32, #tpu.memory_space<vmem>>, vector<16xf32>,
        %get3A_211 = vector.shape_cast %get3A_210 : vector<16xf32> to vector<16xf32>
        %get3A_212 = arith.index_cast %min3A_193 : i32 to index
        %get3A_213 = tpu.vector_load %arg13[%get3A_212] {strides = array<i32>} : memref<2064xf32, #tpu.memory_space<vmem>>, vector<16xf32>,
        %get3A_214 = vector.shape_cast %get3A_213 : vector<16xf32> to vector<16xf32>
        %select_n3A = arith.select %eq3A_35, %get3A_208, %broadcast_in_dim3A_3 : vector<16xi1>, vector<16xf32>
        %add3A_215 = arith.addf %scan3A_185, %select_n3A : vector<16xf32>
        %select_n3A_216 = arith.select %lt3A, %add3A_215, %scan3A_185 : vector<16xf32>
        %select_n3A_217 = arith.select %eq3A_35, %get3A_211, %broadcast_in_dim3A_3 : vector<16xi1>, vector<16xf32>
        %add3A_218 = arith.addf %scan3A_186, %select_n3A_217 : vector<16xf32>
        %select_n3A_219 = arith.select %lt3A, %add3A_218, %scan3A_186 : vector<16xf32>
        %select_n3A_220 = arith.select %eq3A_35, %get3A_214, %broadcast_in_dim3A_3 : vector<16xi1>, vector<16xf32>
        %add3A_221 = arith.addf %scan3A_187, %select_n3A_220 : vector<16xf32>
        %select_n3A_222 = arith.select %lt3A, %add3A_221, %scan3A_187 : vector<16xf32>
        %select_n3A_223 = arith.select %eq3A_35, %get3A_208, %broadcast_in_dim3A_5 : vector<16xi1>, vector<16xf32>
        %max3A = arith.maximumf %scan3A_188, %select_n3A_223 : vector<16xf32>
        %select_n3A_224 = arith.select %lt3A, %max3A, %scan3A_188 : vector<16xf32>
        %select_n3A_225 = arith.select %eq3A_35, %get3A_211, %broadcast_in_dim3A_5 : vector<16xi1>, vector<16xf32>
        %max3A_226 = arith.maximumf %scan3A_189, %select_n3A_225 : vector<16xf32>
        %select_n3A_227 = arith.select %lt3A, %max3A_226, %scan3A_189 : vector<16xf32>
        %select_n3A_228 = arith.select %eq3A_35, %get3A_214, %broadcast_in_dim3A_5 : vector<16xi1>, vector<16xf32>
        %max3A_229 = arith.maximumf %scan3A_190, %select_n3A_228 : vector<16xf32>
        %select_n3A_230 = arith.select %lt3A, %max3A_229, %scan3A_190 : vector<16xf32>
        %ne3A = arith.cmpi ne, %squeeze3A_205, %squeeze3A_198 : i32
        %and3A_231 = arith.andi %lt3A, %ne3A : i1
        %convert_element_type3A = arith.extui %and3A_231 : i1 to i32
        %cond3A = arith.constant 0 : i32
        %cond3A_232 = arith.cmpi ne, %convert_element_type3A, %cond3A : i32
        scf.if %cond3A_232 {
          %sub3A_239 = arith.subi %squeeze3A_198, %multiple_of3A : i32
          %mul3A_240 = arith.constant 16 : i32
          %mul3A_241 = arith.muli %sub3A_239, %mul3A_240 : i32
          %get3A_242 = arith.index_cast %mul3A_241 : i32 to index
          %get3A_243 = tpu.vector_load %arg19[%get3A_242] {strides = array<i32>} : memref<5120xf32, #tpu.memory_space<vmem>>, vector<16xf32>,
          %get3A_244 = vector.shape_cast %get3A_243 : vector<16xf32> to vector<16xf32>
          %add3A_245 = arith.addf %get3A_244, %select_n3A_216 : vector<16xf32>
          %swap3A = arith.index_cast %mul3A_241 : i32 to index
          %swap3A_246 = tpu.vector_load %arg19[%swap3A] {strides = array<i32>} : memref<5120xf32, #tpu.memory_space<vmem>>, vector<16xf32>,
          %swap3A_247 = vector.shape_cast %swap3A_246 : vector<16xf32> to vector<16xf32>
          %swap3A_248 = vector.shape_cast %add3A_245 : vector<16xf32> to vector<16xf32>
          tpu.vector_store %arg19[%swap3A], %swap3A_248 {strides = array<i32>} : memref<5120xf32, #tpu.memory_space<vmem>>, vector<16xf32>,
          %get3A_249 = arith.index_cast %mul3A_241 : i32 to index
          %get3A_250 = tpu.vector_load %arg20[%get3A_249] {strides = array<i32>} : memref<5120xf32, #tpu.memory_space<vmem>>, vector<16xf32>,
          %get3A_251 = vector.shape_cast %get3A_250 : vector<16xf32> to vector<16xf32>
          %add3A_252 = arith.addf %get3A_251, %select_n3A_219 : vector<16xf32>
          %swap3A_253 = arith.index_cast %mul3A_241 : i32 to index
          %swap3A_254 = tpu.vector_load %arg20[%swap3A_253] {strides = array<i32>} : memref<5120xf32, #tpu.memory_space<vmem>>, vector<16xf32>,
          %swap3A_255 = vector.shape_cast %swap3A_254 : vector<16xf32> to vector<16xf32>
          %swap3A_256 = vector.shape_cast %add3A_252 : vector<16xf32> to vector<16xf32>
          tpu.vector_store %arg20[%swap3A_253], %swap3A_256 {strides = array<i32>} : memref<5120xf32, #tpu.memory_space<vmem>>, vector<16xf32>,
          %get3A_257 = arith.index_cast %mul3A_241 : i32 to index
          %get3A_258 = tpu.vector_load %arg21[%get3A_257] {strides = array<i32>} : memref<5120xf32, #tpu.memory_space<vmem>>, vector<16xf32>,
          %get3A_259 = vector.shape_cast %get3A_258 : vector<16xf32> to vector<16xf32>
          %add3A_260 = arith.addf %get3A_259, %select_n3A_222 : vector<16xf32>
          %swap3A_261 = arith.index_cast %mul3A_241 : i32 to index
          %swap3A_262 = tpu.vector_load %arg21[%swap3A_261] {strides = array<i32>} : memref<5120xf32, #tpu.memory_space<vmem>>, vector<16xf32>,
          %swap3A_263 = vector.shape_cast %swap3A_262 : vector<16xf32> to vector<16xf32>
          %swap3A_264 = vector.shape_cast %add3A_260 : vector<16xf32> to vector<16xf32>
          tpu.vector_store %arg21[%swap3A_261], %swap3A_264 {strides = array<i32>} : memref<5120xf32, #tpu.memory_space<vmem>>, vector<16xf32>,
          %get3A_265 = arith.index_cast %mul3A_241 : i32 to index
          %get3A_266 = tpu.vector_load %arg22[%get3A_265] {strides = array<i32>} : memref<5120xf32, #tpu.memory_space<vmem>>, vector<16xf32>,
          %get3A_267 = vector.shape_cast %get3A_266 : vector<16xf32> to vector<16xf32>
          %max3A_268 = arith.maximumf %get3A_267, %select_n3A_224 : vector<16xf32>
          %swap3A_269 = arith.index_cast %mul3A_241 : i32 to index
          %swap3A_270 = tpu.vector_load %arg22[%swap3A_269] {strides = array<i32>} : memref<5120xf32, #tpu.memory_space<vmem>>, vector<16xf32>,
          %swap3A_271 = vector.shape_cast %swap3A_270 : vector<16xf32> to vector<16xf32>
          %swap3A_272 = vector.shape_cast %max3A_268 : vector<16xf32> to vector<16xf32>
          tpu.vector_store %arg22[%swap3A_269], %swap3A_272 {strides = array<i32>} : memref<5120xf32, #tpu.memory_space<vmem>>, vector<16xf32>,
          %get3A_273 = arith.index_cast %mul3A_241 : i32 to index
          %get3A_274 = tpu.vector_load %arg23[%get3A_273] {strides = array<i32>} : memref<5120xf32, #tpu.memory_space<vmem>>, vector<16xf32>,
          %get3A_275 = vector.shape_cast %get3A_274 : vector<16xf32> to vector<16xf32>
          %max3A_276 = arith.maximumf %get3A_275, %select_n3A_227 : vector<16xf32>
          %swap3A_277 = arith.index_cast %mul3A_241 : i32 to index
          %swap3A_278 = tpu.vector_load %arg23[%swap3A_277] {strides = array<i32>} : memref<5120xf32, #tpu.memory_space<vmem>>, vector<16xf32>,
          %swap3A_279 = vector.shape_cast %swap3A_278 : vector<16xf32> to vector<16xf32>
          %swap3A_280 = vector.shape_cast %max3A_276 : vector<16xf32> to vector<16xf32>
          tpu.vector_store %arg23[%swap3A_277], %swap3A_280 {strides = array<i32>} : memref<5120xf32, #tpu.memory_space<vmem>>, vector<16xf32>,
          %get3A_281 = arith.index_cast %mul3A_241 : i32 to index
          %get3A_282 = tpu.vector_load %arg24[%get3A_281] {strides = array<i32>} : memref<5120xf32, #tpu.memory_space<vmem>>, vector<16xf32>,
          %get3A_283 = vector.shape_cast %get3A_282 : vector<16xf32> to vector<16xf32>
          %max3A_284 = arith.maximumf %get3A_283, %select_n3A_230 : vector<16xf32>
          %swap3A_285 = arith.index_cast %mul3A_241 : i32 to index
          %swap3A_286 = tpu.vector_load %arg24[%swap3A_285] {strides = array<i32>} : memref<5120xf32, #tpu.memory_space<vmem>>, vector<16xf32>,
          %swap3A_287 = vector.shape_cast %swap3A_286 : vector<16xf32> to vector<16xf32>
          %swap3A_288 = vector.shape_cast %max3A_284 : vector<16xf32> to vector<16xf32>
          tpu.vector_store %arg24[%swap3A_285], %swap3A_288 {strides = array<i32>} : memref<5120xf32, #tpu.memory_space<vmem>>, vector<16xf32>,
        } else {
        }
        %select_n3A_233 = arith.select %and3A_231, %broadcast_in_dim3A_3, %select_n3A_216 : vector<16xf32>
        %select_n3A_234 = arith.select %and3A_231, %broadcast_in_dim3A_3, %select_n3A_219 : vector<16xf32>
        %select_n3A_235 = arith.select %and3A_231, %broadcast_in_dim3A_3, %select_n3A_222 : vector<16xf32>
        %select_n3A_236 = arith.select %and3A_231, %broadcast_in_dim3A_5, %select_n3A_224 : vector<16xf32>
        %select_n3A_237 = arith.select %and3A_231, %broadcast_in_dim3A_5, %select_n3A_227 : vector<16xf32>
        %select_n3A_238 = arith.select %and3A_231, %broadcast_in_dim3A_5, %select_n3A_230 : vector<16xf32>
        scf.yield %select_n3A_233, %select_n3A_234, %select_n3A_235, %select_n3A_236, %select_n3A_237, %select_n3A_238 : vector<16xf32>, vector<16xf32>, vector<16xf32>, vector<16xf32>, vector<16xf32>, vector<16xf32>
      }
      %scan3A_183 = arith.constant 1920 : i32
      scf.yield %scan3A_182#0, %scan3A_182#1, %scan3A_182#2, %scan3A_182#3, %scan3A_182#4, %scan3A_182#5 : vector<16xf32>, vector<16xf32>, vector<16xf32>, vector<16xf32>, vector<16xf32>, vector<16xf32>
    }
    %scan3A_41 = arith.constant 8 : i32
    %scan3A_42 = arith.constant 0 : i32
    %scan3A_43 = arith.constant 0 : i32
    %scan3A_44 = arith.constant 320 : i32
    %scan3A_45 = arith.addi %scan3A_43, %scan3A_44 : i32
    %scan3A_46 = arith.constant 1 : i32
    %scan3A_47 = scf.for %scan3A_106 = %scan3A_43 to %scan3A_45 step %scan3A_46 iter_args(%scan3A_107 = %scan3A_42) -> (i32)  : i32 {
      %add3A_108 = arith.addi %sub3A, %scan3A_106 : i32
      %get3A_109 = arith.index_cast %add3A_108 : i32 to index
      %get3A_110 = tpu.vector_load %arg10[%get3A_109] {strides = array<i32>} : memref<528xi32, #tpu.memory_space<vmem>>, vector<16xi32>,
      %get3A_111 = vector.shape_cast %get3A_110 : vector<16xi32> to vector<16xi32>
      %slice3A_112 = vector.extract_strided_slice %get3A_111 {offsets = [0], sizes = [1], strides = [1]} : vector<16xi32> to vector<1xi32>
      %squeeze3A_113 = vector.extract %slice3A_112[0] : i32 from vector<1xi32>
      %add3A_114 = arith.addi %sub3A, %scan3A_106 : i32
      %add3A_115 = arith.constant 1 : i32
      %add3A_116 = arith.addi %add3A_114, %add3A_115 : i32
      %get3A_117 = arith.index_cast %add3A_116 : i32 to index
      %get3A_118 = tpu.vector_load %arg10[%get3A_117] {strides = array<i32>} : memref<528xi32, #tpu.memory_space<vmem>>, vector<16xi32>,
      %get3A_119 = vector.shape_cast %get3A_118 : vector<16xi32> to vector<16xi32>
      %slice3A_120 = vector.extract_strided_slice %get3A_119 {offsets = [0], sizes = [1], strides = [1]} : vector<16xi32> to vector<1xi32>
      %squeeze3A_121 = vector.extract %slice3A_120[0] : i32 from vector<1xi32>
      %sub3A_122 = arith.subi %squeeze3A_121, %squeeze3A_113 : i32
      %convert_element_type3A = arith.sitofp %sub3A_122 : i32 to f32
      %broadcast_in_dim3A_123 = vector.broadcast %convert_element_type3A : f32 to vector<16xf32>
      %max3A = arith.constant 1.000000e+00 : f32
      %max3A_124 = vector.broadcast %max3A : f32 to vector<16xf32>
      %max3A_125 = arith.maximumf %broadcast_in_dim3A_123, %max3A_124 : vector<16xf32>
      %div3A = arith.constant 1.000000e+00 : f32
      %div3A_126 = vector.broadcast %div3A : f32 to vector<16xf32>
      %div3A_127 = arith.divf %div3A_126, %max3A_125 : vector<16xf32>
      %mul3A_128 = arith.constant 16 : i32
      %mul3A_129 = arith.muli %scan3A_106, %mul3A_128 : i32
      %get3A_130 = arith.index_cast %mul3A_129 : i32 to index
      %get3A_131 = tpu.vector_load %arg19[%get3A_130] {strides = array<i32>} : memref<5120xf32, #tpu.memory_space<vmem>>, vector<16xf32>,
      %get3A_132 = vector.shape_cast %get3A_131 : vector<16xf32> to vector<16xf32>
      %slice3A_133 = vector.extract_strided_slice %get3A_132 {offsets = [0], sizes = [1], strides = [1]} : vector<16xf32> to vector<1xf32>
      %squeeze3A_134 = vector.extract %slice3A_133[0] : f32 from vector<1xf32>
      %broadcast_in_dim3A_135 = vector.broadcast %squeeze3A_134 : f32 to vector<16xf32>
      %mul3A_136 = arith.mulf %broadcast_in_dim3A_135, %div3A_127 : vector<16xf32>
      %swap3A = arith.index_cast %scan3A_106 : i32 to index
      %swap3A_137 = tpu.vector_load %arg25[%swap3A] {strides = array<i32>} : memref<336xf32, #tpu.memory_space<vmem>>, vector<16xf32>,
      %swap3A_138 = vector.shape_cast %swap3A_137 : vector<16xf32> to vector<16xf32>
      %swap3A_139 = vector.shape_cast %mul3A_136 : vector<16xf32> to vector<16xf32>
      tpu.vector_store %arg25[%swap3A], %swap3A_139 {strides = array<i32>} : memref<336xf32, #tpu.memory_space<vmem>>, vector<16xf32>,
      %mul3A_140 = arith.constant 16 : i32
      %mul3A_141 = arith.muli %scan3A_106, %mul3A_140 : i32
      %get3A_142 = arith.index_cast %mul3A_141 : i32 to index
      %get3A_143 = tpu.vector_load %arg20[%get3A_142] {strides = array<i32>} : memref<5120xf32, #tpu.memory_space<vmem>>, vector<16xf32>,
      %get3A_144 = vector.shape_cast %get3A_143 : vector<16xf32> to vector<16xf32>
      %slice3A_145 = vector.extract_strided_slice %get3A_144 {offsets = [0], sizes = [1], strides = [1]} : vector<16xf32> to vector<1xf32>
      %squeeze3A_146 = vector.extract %slice3A_145[0] : f32 from vector<1xf32>
      %broadcast_in_dim3A_147 = vector.broadcast %squeeze3A_146 : f32 to vector<16xf32>
      %mul3A_148 = arith.mulf %broadcast_in_dim3A_147, %div3A_127 : vector<16xf32>
      %swap3A_149 = arith.index_cast %scan3A_106 : i32 to index
      %swap3A_150 = tpu.vector_load %arg26[%swap3A_149] {strides = array<i32>} : memref<336xf32, #tpu.memory_space<vmem>>, vector<16xf32>,
      %swap3A_151 = vector.shape_cast %swap3A_150 : vector<16xf32> to vector<16xf32>
      %swap3A_152 = vector.shape_cast %mul3A_148 : vector<16xf32> to vector<16xf32>
      tpu.vector_store %arg26[%swap3A_149], %swap3A_152 {strides = array<i32>} : memref<336xf32, #tpu.memory_space<vmem>>, vector<16xf32>,
      %mul3A_153 = arith.constant 16 : i32
      %mul3A_154 = arith.muli %scan3A_106, %mul3A_153 : i32
      %get3A_155 = arith.index_cast %mul3A_154 : i32 to index
      %get3A_156 = tpu.vector_load %arg21[%get3A_155] {strides = array<i32>} : memref<5120xf32, #tpu.memory_space<vmem>>, vector<16xf32>,
      %get3A_157 = vector.shape_cast %get3A_156 : vector<16xf32> to vector<16xf32>
      %slice3A_158 = vector.extract_strided_slice %get3A_157 {offsets = [0], sizes = [1], strides = [1]} : vector<16xf32> to vector<1xf32>
      %squeeze3A_159 = vector.extract %slice3A_158[0] : f32 from vector<1xf32>
      %broadcast_in_dim3A_160 = vector.broadcast %squeeze3A_159 : f32 to vector<16xf32>
      %mul3A_161 = arith.mulf %broadcast_in_dim3A_160, %div3A_127 : vector<16xf32>
      %swap3A_162 = arith.index_cast %scan3A_106 : i32 to index
      %swap3A_163 = tpu.vector_load %arg27[%swap3A_162] {strides = array<i32>} : memref<336xf32, #tpu.memory_space<vmem>>, vector<16xf32>,
      %swap3A_164 = vector.shape_cast %swap3A_163 : vector<16xf32> to vector<16xf32>
      %swap3A_165 = vector.shape_cast %mul3A_161 : vector<16xf32> to vector<16xf32>
      tpu.vector_store %arg27[%swap3A_162], %swap3A_165 {strides = array<i32>} : memref<336xf32, #tpu.memory_space<vmem>>, vector<16xf32>,
      %scan3A_166 = arith.constant 0 : i32
      scf.yield %scan3A_166 : i32
    }
    %scan3A_48 = arith.constant 320 : i32
    %scan3A_49 = arith.constant 0 : i32
    %scan3A_50 = arith.constant 0 : i32
    %scan3A_51 = arith.constant 320 : i32
    %scan3A_52 = arith.addi %scan3A_50, %scan3A_51 : i32
    %scan3A_53 = arith.constant 1 : i32
    %scan3A_54 = scf.for %scan3A_106 = %scan3A_50 to %scan3A_52 step %scan3A_53 iter_args(%scan3A_107 = %scan3A_49) -> (i32)  : i32 {
      %mul3A_108 = arith.constant 16 : i32
      %mul3A_109 = arith.muli %scan3A_106, %mul3A_108 : i32
      %swap3A = arith.index_cast %mul3A_109 : i32 to index
      %swap3A_110 = tpu.vector_load %arg19[%swap3A] {strides = array<i32>} : memref<5120xf32, #tpu.memory_space<vmem>>, vector<16xf32>,
      %swap3A_111 = vector.shape_cast %swap3A_110 : vector<16xf32> to vector<16xf32>
      %swap3A_112 = vector.shape_cast %broadcast_in_dim3A_5 : vector<16xf32> to vector<16xf32>
      tpu.vector_store %arg19[%swap3A], %swap3A_112 {strides = array<i32>} : memref<5120xf32, #tpu.memory_space<vmem>>, vector<16xf32>,
      %scan3A_113 = arith.constant 0 : i32
      scf.yield %scan3A_113 : i32
    }
    %scan3A_55 = arith.constant 320 : i32
    %scan3A_56 = arith.constant 0 : i32
    %scan3A_57 = arith.constant 8 : i32
    %scan3A_58 = arith.addi %scan3A_56, %scan3A_57 : i32
    %scan3A_59 = arith.constant 1 : i32
    %scan3A_60 = scf.for %scan3A_106 = %scan3A_56 to %scan3A_58 step %scan3A_59 iter_args(%scan3A_107 = %broadcast_in_dim3A_5) -> (vector<16xf32>)  : i32 {
      %mul3A_108 = arith.constant 1 : i32
      %mul3A_109 = arith.muli %scan3A_106, %mul3A_108 : i32
      %add3A_110 = arith.constant 0 : i32
      %add3A_111 = arith.addi %add3A_110, %mul3A_109 : i32
      %mul3A_112 = arith.constant 1920 : i32
      %mul3A_113 = arith.muli %add3A_111, %mul3A_112 : i32
      %add3A_114 = arith.addi %squeeze3A, %mul3A_113 : i32
      %sub3A_115 = arith.subi %squeeze3A_27, %add3A_114 : i32
      %min3A = arith.constant 1920 : i32
      %min3A_116 = arith.minsi %min3A, %sub3A_115 : i32
      %not3A_117 = arith.constant 127 : i32
      %not3A_118 = arith.constant -1 : i32
      %not3A_119 = arith.xori %not3A_117, %not3A_118 : i32
      %and3A_120 = arith.andi %add3A_114, %not3A_119 : i32
      %min3A_121 = arith.constant 317952 : i32
      %min3A_122 = arith.minsi %and3A_120, %min3A_121 : i32
      %multiple_of3A_123 = tpu.assume_multiple %min3A_122, 128 : i32
      %sub3A_124 = arith.subi %add3A_114, %multiple_of3A_123 : i32
      %dma_start3A_125 = arith.constant 0 : i32
      %dma_start3A_126 = tpu.memref_slice %arg11[%dma_start3A_125] : memref<2064xf32, #tpu.memory_space<vmem>> -> memref<2048xf32, #tpu.memory_space<vmem>>
      %dma_start3A_127 = tpu.memref_slice %arg2[%multiple_of3A_123] : memref<320000xf32, #tpu.memory_space<hbm>> -> memref<2048xf32, #tpu.memory_space<hbm>>
      %dma_start3A_128 = arith.constant 0 : i32
      %dma_start3A_129 = tpu.memref_slice %arg11[%dma_start3A_128] : memref<2064xf32, #tpu.memory_space<vmem>> -> memref<2048xf32, #tpu.memory_space<vmem>>
      %dma_start3A_130 = tpu.memref_slice %arg2[%multiple_of3A_123] : memref<320000xf32, #tpu.memory_space<hbm>> -> memref<2048xf32, #tpu.memory_space<hbm>>
      tpu.enqueue_dma source(%dma_start3A_130 : memref<2048xf32, #tpu.memory_space<hbm>>) target(%dma_start3A_129 : memref<2048xf32, #tpu.memory_space<vmem>>) target_semaphore(%arg29 : memref<!tpu.dma_semaphore, #tpu.memory_space<semaphore_mem>>)
      %dma_wait3A_131 = arith.constant 0 : i32
      %dma_wait3A_132 = tpu.memref_slice %arg11[%dma_wait3A_131] : memref<2064xf32, #tpu.memory_space<vmem>> -> memref<2048xf32, #tpu.memory_space<vmem>>
      %dma_wait3A_133 = tpu.memref_slice %arg2[%multiple_of3A_123] : memref<320000xf32, #tpu.memory_space<hbm>> -> memref<2048xf32, #tpu.memory_space<hbm>>
      %dma_wait3A_134 = arith.constant 0 : i32
      %dma_wait3A_135 = tpu.memref_slice %arg11[%dma_wait3A_134] : memref<2064xf32, #tpu.memory_space<vmem>> -> memref<2048xf32, #tpu.memory_space<vmem>>
      %dma_wait3A_136 = tpu.memref_slice %arg2[%multiple_of3A_123] : memref<320000xf32, #tpu.memory_space<hbm>> -> memref<2048xf32, #tpu.memory_space<hbm>>
      tpu.wait_dma2 semaphore(%arg29 : memref<!tpu.dma_semaphore, #tpu.memory_space<semaphore_mem>>) src(%dma_wait3A_136 : memref<2048xf32, #tpu.memory_space<hbm>>) dst(%dma_wait3A_135 : memref<2048xf32, #tpu.memory_space<vmem>>)
      %dma_start3A_137 = arith.constant 0 : i32
      %dma_start3A_138 = tpu.memref_slice %arg12[%dma_start3A_137] : memref<2064xf32, #tpu.memory_space<vmem>> -> memref<2048xf32, #tpu.memory_space<vmem>>
      %dma_start3A_139 = tpu.memref_slice %arg3[%multiple_of3A_123] : memref<320000xf32, #tpu.memory_space<hbm>> -> memref<2048xf32, #tpu.memory_space<hbm>>
      %dma_start3A_140 = arith.constant 0 : i32
      %dma_start3A_141 = tpu.memref_slice %arg12[%dma_start3A_140] : memref<2064xf32, #tpu.memory_space<vmem>> -> memref<2048xf32, #tpu.memory_space<vmem>>
      %dma_start3A_142 = tpu.memref_slice %arg3[%multiple_of3A_123] : memref<320000xf32, #tpu.memory_space<hbm>> -> memref<2048xf32, #tpu.memory_space<hbm>>
      tpu.enqueue_dma source(%dma_start3A_142 : memref<2048xf32, #tpu.memory_space<hbm>>) target(%dma_start3A_141 : memref<2048xf32, #tpu.memory_space<vmem>>) target_semaphore(%arg29 : memref<!tpu.dma_semaphore, #tpu.memory_space<semaphore_mem>>)
      %dma_wait3A_143 = arith.constant 0 : i32
      %dma_wait3A_144 = tpu.memref_slice %arg12[%dma_wait3A_143] : memref<2064xf32, #tpu.memory_space<vmem>> -> memref<2048xf32, #tpu.memory_space<vmem>>
      %dma_wait3A_145 = tpu.memref_slice %arg3[%multiple_of3A_123] : memref<320000xf32, #tpu.memory_space<hbm>> -> memref<2048xf32, #tpu.memory_space<hbm>>
      %dma_wait3A_146 = arith.constant 0 : i32
      %dma_wait3A_147 = tpu.memref_slice %arg12[%dma_wait3A_146] : memref<2064xf32, #tpu.memory_space<vmem>> -> memref<2048xf32, #tpu.memory_space<vmem>>
      %dma_wait3A_148 = tpu.memref_slice %arg3[%multiple_of3A_123] : memref<320000xf32, #tpu.memory_space<hbm>> -> memref<2048xf32, #tpu.memory_space<hbm>>
      tpu.wait_dma2 semaphore(%arg29 : memref<!tpu.dma_semaphore, #tpu.memory_space<semaphore_mem>>) src(%dma_wait3A_148 : memref<2048xf32, #tpu.memory_space<hbm>>) dst(%dma_wait3A_147 : memref<2048xf32, #tpu.memory_space<vmem>>)
      %dma_start3A_149 = arith.constant 0 : i32
      %dma_start3A_150 = tpu.memref_slice %arg13[%dma_start3A_149] : memref<2064xf32, #tpu.memory_space<vmem>> -> memref<2048xf32, #tpu.memory_space<vmem>>
      %dma_start3A_151 = tpu.memref_slice %arg4[%multiple_of3A_123] : memref<320000xf32, #tpu.memory_space<hbm>> -> memref<2048xf32, #tpu.memory_space<hbm>>
      %dma_start3A_152 = arith.constant 0 : i32
      %dma_start3A_153 = tpu.memref_slice %arg13[%dma_start3A_152] : memref<2064xf32, #tpu.memory_space<vmem>> -> memref<2048xf32, #tpu.memory_space<vmem>>
      %dma_start3A_154 = tpu.memref_slice %arg4[%multiple_of3A_123] : memref<320000xf32, #tpu.memory_space<hbm>> -> memref<2048xf32, #tpu.memory_space<hbm>>
      tpu.enqueue_dma source(%dma_start3A_154 : memref<2048xf32, #tpu.memory_space<hbm>>) target(%dma_start3A_153 : memref<2048xf32, #tpu.memory_space<vmem>>) target_semaphore(%arg29 : memref<!tpu.dma_semaphore, #tpu.memory_space<semaphore_mem>>)
      %dma_wait3A_155 = arith.constant 0 : i32
      %dma_wait3A_156 = tpu.memref_slice %arg13[%dma_wait3A_155] : memref<2064xf32, #tpu.memory_space<vmem>> -> memref<2048xf32, #tpu.memory_space<vmem>>
      %dma_wait3A_157 = tpu.memref_slice %arg4[%multiple_of3A_123] : memref<320000xf32, #tpu.memory_space<hbm>> -> memref<2048xf32, #tpu.memory_space<hbm>>
      %dma_wait3A_158 = arith.constant 0 : i32
      %dma_wait3A_159 = tpu.memref_slice %arg13[%dma_wait3A_158] : memref<2064xf32, #tpu.memory_space<vmem>> -> memref<2048xf32, #tpu.memory_space<vmem>>
      %dma_wait3A_160 = tpu.memref_slice %arg4[%multiple_of3A_123] : memref<320000xf32, #tpu.memory_space<hbm>> -> memref<2048xf32, #tpu.memory_space<hbm>>
      tpu.wait_dma2 semaphore(%arg29 : memref<!tpu.dma_semaphore, #tpu.memory_space<semaphore_mem>>) src(%dma_wait3A_160 : memref<2048xf32, #tpu.memory_space<hbm>>) dst(%dma_wait3A_159 : memref<2048xf32, #tpu.memory_space<vmem>>)
      %dma_start3A_161 = arith.constant 0 : i32
      %dma_start3A_162 = tpu.memref_slice %arg14[%dma_start3A_161] : memref<2192xi32, #tpu.memory_space<vmem>> -> memref<2176xi32, #tpu.memory_space<vmem>>
      %dma_start3A_163 = tpu.memref_slice %arg7[%multiple_of3A_123] : memref<324096xi32, #tpu.memory_space<hbm>> -> memref<2176xi32, #tpu.memory_space<hbm>>
      %dma_start3A_164 = arith.constant 0 : i32
      %dma_start3A_165 = tpu.memref_slice %arg14[%dma_start3A_164] : memref<2192xi32, #tpu.memory_space<vmem>> -> memref<2176xi32, #tpu.memory_space<vmem>>
      %dma_start3A_166 = tpu.memref_slice %arg7[%multiple_of3A_123] : memref<324096xi32, #tpu.memory_space<hbm>> -> memref<2176xi32, #tpu.memory_space<hbm>>
      tpu.enqueue_dma source(%dma_start3A_166 : memref<2176xi32, #tpu.memory_space<hbm>>) target(%dma_start3A_165 : memref<2176xi32, #tpu.memory_space<vmem>>) target_semaphore(%arg29 : memref<!tpu.dma_semaphore, #tpu.memory_space<semaphore_mem>>)
      %dma_wait3A_167 = arith.constant 0 : i32
      %dma_wait3A_168 = tpu.memref_slice %arg14[%dma_wait3A_167] : memref<2192xi32, #tpu.memory_space<vmem>> -> memref<2176xi32, #tpu.memory_space<vmem>>
      %dma_wait3A_169 = tpu.memref_slice %arg7[%multiple_of3A_123] : memref<324096xi32, #tpu.memory_space<hbm>> -> memref<2176xi32, #tpu.memory_space<hbm>>
      %dma_wait3A_170 = arith.constant 0 : i32
      %dma_wait3A_171 = tpu.memref_slice %arg14[%dma_wait3A_170] : memref<2192xi32, #tpu.memory_space<vmem>> -> memref<2176xi32, #tpu.memory_space<vmem>>
      %dma_wait3A_172 = tpu.memref_slice %arg7[%multiple_of3A_123] : memref<324096xi32, #tpu.memory_space<hbm>> -> memref<2176xi32, #tpu.memory_space<hbm>>
      tpu.wait_dma2 semaphore(%arg29 : memref<!tpu.dma_semaphore, #tpu.memory_space<semaphore_mem>>) src(%dma_wait3A_172 : memref<2176xi32, #tpu.memory_space<hbm>>) dst(%dma_wait3A_171 : memref<2176xi32, #tpu.memory_space<vmem>>)
      %scan3A_173 = arith.constant 0 : i32
      %scan3A_174 = arith.constant 1920 : i32
      %scan3A_175 = arith.addi %scan3A_173, %scan3A_174 : i32
      %scan3A_176 = arith.constant 1 : i32
      %scan3A_177 = scf.for %scan3A_179 = %scan3A_173 to %scan3A_175 step %scan3A_176 iter_args(%scan3A_180 = %scan3A_107) -> (vector<16xf32>)  : i32 {
        %lt3A = arith.cmpi slt, %scan3A_179, %min3A_116 : i32
        %add3A_181 = arith.addi %scan3A_179, %sub3A_124 : i32
        %min3A_182 = arith.constant 2048 : i32
        %min3A_183 = arith.minsi %add3A_181, %min3A_182 : i32
        %get3A_184 = arith.index_cast %min3A_183 : i32 to index
        %get3A_185 = tpu.vector_load %arg14[%get3A_184] {strides = array<i32>} : memref<2192xi32, #tpu.memory_space<vmem>>, vector<16xi32>,
        %get3A_186 = vector.shape_cast %get3A_185 : vector<16xi32> to vector<16xi32>
        %slice3A_187 = vector.extract_strided_slice %get3A_186 {offsets = [0], sizes = [1], strides = [1]} : vector<16xi32> to vector<1xi32>
        %squeeze3A_188 = vector.extract %slice3A_187[0] : i32 from vector<1xi32>
        %add3A_189 = arith.constant 1 : i32
        %add3A_190 = arith.addi %min3A_183, %add3A_189 : i32
        %get3A_191 = arith.index_cast %add3A_190 : i32 to index
        %get3A_192 = tpu.vector_load %arg14[%get3A_191] {strides = array<i32>} : memref<2192xi32, #tpu.memory_space<vmem>>, vector<16xi32>,
        %get3A_193 = vector.shape_cast %get3A_192 : vector<16xi32> to vector<16xi32>
        %slice3A_194 = vector.extract_strided_slice %get3A_193 {offsets = [0], sizes = [1], strides = [1]} : vector<16xi32> to vector<1xi32>
        %squeeze3A_195 = vector.extract %slice3A_194[0] : i32 from vector<1xi32>
        %sub3A_196 = arith.subi %squeeze3A_188, %multiple_of3A : i32
        %max3A = arith.constant 0 : i32
        %max3A_197 = arith.maxsi %sub3A_196, %max3A : i32
        %min3A_198 = arith.constant 319 : i32
        %min3A_199 = arith.minsi %max3A_197, %min3A_198 : i32
        %get3A_200 = arith.index_cast %min3A_199 : i32 to index
        %get3A_201 = tpu.vector_load %arg25[%get3A_200] {strides = array<i32>} : memref<336xf32, #tpu.memory_space<vmem>>, vector<16xf32>,
        %get3A_202 = vector.shape_cast %get3A_201 : vector<16xf32> to vector<16xf32>
        %slice3A_203 = vector.extract_strided_slice %get3A_202 {offsets = [0], sizes = [1], strides = [1]} : vector<16xf32> to vector<1xf32>
        %squeeze3A_204 = vector.extract %slice3A_203[0] : f32 from vector<1xf32>
        %get3A_205 = arith.index_cast %min3A_199 : i32 to index
        %get3A_206 = tpu.vector_load %arg26[%get3A_205] {strides = array<i32>} : memref<336xf32, #tpu.memory_space<vmem>>, vector<16xf32>,
        %get3A_207 = vector.shape_cast %get3A_206 : vector<16xf32> to vector<16xf32>
        %slice3A_208 = vector.extract_strided_slice %get3A_207 {offsets = [0], sizes = [1], strides = [1]} : vector<16xf32> to vector<1xf32>
        %squeeze3A_209 = vector.extract %slice3A_208[0] : f32 from vector<1xf32>
        %get3A_210 = arith.index_cast %min3A_199 : i32 to index
        %get3A_211 = tpu.vector_load %arg27[%get3A_210] {strides = array<i32>} : memref<336xf32, #tpu.memory_space<vmem>>, vector<16xf32>,
        %get3A_212 = vector.shape_cast %get3A_211 : vector<16xf32> to vector<16xf32>
        %slice3A_213 = vector.extract_strided_slice %get3A_212 {offsets = [0], sizes = [1], strides = [1]} : vector<16xf32> to vector<1xf32>
        %squeeze3A_214 = vector.extract %slice3A_213[0] : f32 from vector<1xf32>
        %get3A_215 = arith.index_cast %min3A_183 : i32 to index
        %get3A_216 = tpu.vector_load %arg11[%get3A_215] {strides = array<i32>} : memref<2064xf32, #tpu.memory_space<vmem>>, vector<16xf32>,
        %get3A_217 = vector.shape_cast %get3A_216 : vector<16xf32> to vector<16xf32>
        %sub3A_218 = vector.broadcast %squeeze3A_204 : f32 to vector<16xf32>
        %sub3A_219 = arith.subf %get3A_217, %sub3A_218 : vector<16xf32>
        %get3A_220 = arith.index_cast %min3A_183 : i32 to index
        %get3A_221 = tpu.vector_load %arg12[%get3A_220] {strides = array<i32>} : memref<2064xf32, #tpu.memory_space<vmem>>, vector<16xf32>,
        %get3A_222 = vector.shape_cast %get3A_221 : vector<16xf32> to vector<16xf32>
        %sub3A_223 = vector.broadcast %squeeze3A_209 : f32 to vector<16xf32>
        %sub3A_224 = arith.subf %get3A_222, %sub3A_223 : vector<16xf32>
        %get3A_225 = arith.index_cast %min3A_183 : i32 to index
        %get3A_226 = tpu.vector_load %arg13[%get3A_225] {strides = array<i32>} : memref<2064xf32, #tpu.memory_space<vmem>>, vector<16xf32>,
        %get3A_227 = vector.shape_cast %get3A_226 : vector<16xf32> to vector<16xf32>
        %sub3A_228 = vector.broadcast %squeeze3A_214 : f32 to vector<16xf32>
        %sub3A_229 = arith.subf %get3A_227, %sub3A_228 : vector<16xf32>
        %mul3A_230 = arith.mulf %sub3A_219, %sub3A_219 : vector<16xf32>
        %mul3A_231 = arith.mulf %sub3A_224, %sub3A_224 : vector<16xf32>
        %add3A_232 = arith.addf %mul3A_230, %mul3A_231 : vector<16xf32>
        %mul3A_233 = arith.mulf %sub3A_229, %sub3A_229 : vector<16xf32>
        %add3A_234 = arith.addf %add3A_232, %mul3A_233 : vector<16xf32>
        %select_n3A = arith.select %eq3A_35, %add3A_234, %broadcast_in_dim3A_5 : vector<16xi1>, vector<16xf32>
        %max3A_235 = arith.maximumf %scan3A_180, %select_n3A : vector<16xf32>
        %select_n3A_236 = arith.select %lt3A, %max3A_235, %scan3A_180 : vector<16xf32>
        %ne3A = arith.cmpi ne, %squeeze3A_195, %squeeze3A_188 : i32
        %and3A_237 = arith.andi %lt3A, %ne3A : i1
        %convert_element_type3A = arith.extui %and3A_237 : i1 to i32
        %cond3A = arith.constant 0 : i32
        %cond3A_238 = arith.cmpi ne, %convert_element_type3A, %cond3A : i32
        scf.if %cond3A_238 {
          %mul3A_240 = arith.constant 16 : i32
          %mul3A_241 = arith.muli %min3A_199, %mul3A_240 : i32
          %get3A_242 = arith.index_cast %mul3A_241 : i32 to index
          %get3A_243 = tpu.vector_load %arg19[%get3A_242] {strides = array<i32>} : memref<5120xf32, #tpu.memory_space<vmem>>, vector<16xf32>,
          %get3A_244 = vector.shape_cast %get3A_243 : vector<16xf32> to vector<16xf32>
          %max3A_245 = arith.maximumf %get3A_244, %select_n3A_236 : vector<16xf32>
          %swap3A = arith.index_cast %mul3A_241 : i32 to index
          %swap3A_246 = tpu.vector_load %arg19[%swap3A] {strides = array<i32>} : memref<5120xf32, #tpu.memory_space<vmem>>, vector<16xf32>,
          %swap3A_247 = vector.shape_cast %swap3A_246 : vector<16xf32> to vector<16xf32>
          %swap3A_248 = vector.shape_cast %max3A_245 : vector<16xf32> to vector<16xf32>
          tpu.vector_store %arg19[%swap3A], %swap3A_248 {strides = array<i32>} : memref<5120xf32, #tpu.memory_space<vmem>>, vector<16xf32>,
        } else {
        }
        %select_n3A_239 = arith.select %and3A_237, %broadcast_in_dim3A_5, %select_n3A_236 : vector<16xf32>
        scf.yield %select_n3A_239 : vector<16xf32>
      }
      %scan3A_178 = arith.constant 1920 : i32
      scf.yield %scan3A_177 : vector<16xf32>
    }
    %scan3A_61 = arith.constant 8 : i32
    %scan3A_62 = arith.constant 0 : i32
    %scan3A_63 = arith.constant 0 : i32
    %scan3A_64 = arith.constant 320 : i32
    %scan3A_65 = arith.addi %scan3A_63, %scan3A_64 : i32
    %scan3A_66 = arith.constant 1 : i32
    %scan3A_67 = scf.for %scan3A_106 = %scan3A_63 to %scan3A_65 step %scan3A_66 iter_args(%scan3A_107 = %scan3A_62) -> (i32)  : i32 {
      %add3A_108 = arith.addi %sub3A, %scan3A_106 : i32
      %get3A_109 = arith.index_cast %add3A_108 : i32 to index
      %get3A_110 = tpu.vector_load %arg10[%get3A_109] {strides = array<i32>} : memref<528xi32, #tpu.memory_space<vmem>>, vector<16xi32>,
      %get3A_111 = vector.shape_cast %get3A_110 : vector<16xi32> to vector<16xi32>
      %slice3A_112 = vector.extract_strided_slice %get3A_111 {offsets = [0], sizes = [1], strides = [1]} : vector<16xi32> to vector<1xi32>
      %squeeze3A_113 = vector.extract %slice3A_112[0] : i32 from vector<1xi32>
      %add3A_114 = arith.addi %sub3A, %scan3A_106 : i32
      %add3A_115 = arith.constant 1 : i32
      %add3A_116 = arith.addi %add3A_114, %add3A_115 : i32
      %get3A_117 = arith.index_cast %add3A_116 : i32 to index
      %get3A_118 = tpu.vector_load %arg10[%get3A_117] {strides = array<i32>} : memref<528xi32, #tpu.memory_space<vmem>>, vector<16xi32>,
      %get3A_119 = vector.shape_cast %get3A_118 : vector<16xi32> to vector<16xi32>
      %slice3A_120 = vector.extract_strided_slice %get3A_119 {offsets = [0], sizes = [1], strides = [1]} : vector<16xi32> to vector<1xi32>
      %squeeze3A_121 = vector.extract %slice3A_120[0] : i32 from vector<1xi32>
      %gt3A = arith.cmpi sgt, %squeeze3A_121, %squeeze3A_113 : i32
      %mul3A_122 = arith.constant 16 : i32
      %mul3A_123 = arith.muli %scan3A_106, %mul3A_122 : i32
      %get3A_124 = arith.index_cast %mul3A_123 : i32 to index
      %get3A_125 = tpu.vector_load %arg19[%get3A_124] {strides = array<i32>} : memref<5120xf32, #tpu.memory_space<vmem>>, vector<16xf32>,
      %get3A_126 = vector.shape_cast %get3A_125 : vector<16xf32> to vector<16xf32>
      %slice3A_127 = vector.extract_strided_slice %get3A_126 {offsets = [0], sizes = [1], strides = [1]} : vector<16xf32> to vector<1xf32>
      %squeeze3A_128 = vector.extract %slice3A_127[0] : f32 from vector<1xf32>
      %broadcast_in_dim3A_129 = vector.broadcast %squeeze3A_128 : f32 to vector<16xf32>
      %jit3A = arith.constant 1.000000e+00 : f32
      %broadcast_in_dim3A_130 = vector.broadcast %jit3A : f32 to vector<16xf32>
      %select_n3A = arith.select %gt3A, %broadcast_in_dim3A_129, %broadcast_in_dim3A_130 : vector<16xf32>
      %add3A_131 = arith.constant 9.99999996E-13 : f32
      %add3A_132 = vector.broadcast %add3A_131 : f32 to vector<16xf32>
      %add3A_133 = arith.addf %select_n3A, %add3A_132 : vector<16xf32>
      %bitcast_convert_type3A = tpu.bitcast %add3A_133 : vector<16xf32> -> vector<16xi32>
      %shift_right_arithmetic3A = arith.constant 1 : i32
      %shift_right_arithmetic3A_134 = vector.broadcast %shift_right_arithmetic3A : i32 to vector<16xi32>
      %shift_right_arithmetic3A_135 = arith.shrsi %bitcast_convert_type3A, %shift_right_arithmetic3A_134 : vector<16xi32>
      %sub3A_136 = arith.constant 1597463007 : i32
      %sub3A_137 = vector.broadcast %sub3A_136 : i32 to vector<16xi32>
      %sub3A_138 = arith.subi %sub3A_137, %shift_right_arithmetic3A_135 : vector<16xi32>
      %bitcast_convert_type3A_139 = tpu.bitcast %sub3A_138 : vector<16xi32> -> vector<16xf32>
      %mul3A_140 = arith.constant 5.000000e-01 : f32
      %mul3A_141 = vector.broadcast %mul3A_140 : f32 to vector<16xf32>
      %mul3A_142 = arith.mulf %mul3A_141, %add3A_133 : vector<16xf32>
      %mul3A_143 = arith.mulf %mul3A_142, %bitcast_convert_type3A_139 : vector<16xf32>
      %mul3A_144 = arith.mulf %mul3A_143, %bitcast_convert_type3A_139 : vector<16xf32>
      %sub3A_145 = arith.constant 1.500000e+00 : f32
      %sub3A_146 = vector.broadcast %sub3A_145 : f32 to vector<16xf32>
      %sub3A_147 = arith.subf %sub3A_146, %mul3A_144 : vector<16xf32>
      %mul3A_148 = arith.mulf %bitcast_convert_type3A_139, %sub3A_147 : vector<16xf32>
      %mul3A_149 = arith.constant 5.000000e-01 : f32
      %mul3A_150 = vector.broadcast %mul3A_149 : f32 to vector<16xf32>
      %mul3A_151 = arith.mulf %mul3A_150, %add3A_133 : vector<16xf32>
      %mul3A_152 = arith.mulf %mul3A_151, %mul3A_148 : vector<16xf32>
      %mul3A_153 = arith.mulf %mul3A_152, %mul3A_148 : vector<16xf32>
      %sub3A_154 = arith.constant 1.500000e+00 : f32
      %sub3A_155 = vector.broadcast %sub3A_154 : f32 to vector<16xf32>
      %sub3A_156 = arith.subf %sub3A_155, %mul3A_153 : vector<16xf32>
      %mul3A_157 = arith.mulf %mul3A_148, %sub3A_156 : vector<16xf32>
      %mul3A_158 = arith.constant 5.000000e-01 : f32
      %mul3A_159 = vector.broadcast %mul3A_158 : f32 to vector<16xf32>
      %mul3A_160 = arith.mulf %mul3A_159, %add3A_133 : vector<16xf32>
      %mul3A_161 = arith.mulf %mul3A_160, %mul3A_157 : vector<16xf32>
      %mul3A_162 = arith.mulf %mul3A_161, %mul3A_157 : vector<16xf32>
      %sub3A_163 = arith.constant 1.500000e+00 : f32
      %sub3A_164 = vector.broadcast %sub3A_163 : f32 to vector<16xf32>
      %sub3A_165 = arith.subf %sub3A_164, %mul3A_162 : vector<16xf32>
      %mul3A_166 = arith.mulf %mul3A_157, %sub3A_165 : vector<16xf32>
      %mul3A_167 = arith.mulf %add3A_133, %mul3A_166 : vector<16xf32>
      %jit3A_168 = arith.constant 0.000000e+00 : f32
      %broadcast_in_dim3A_169 = vector.broadcast %jit3A_168 : f32 to vector<16xf32>
      %select_n3A_170 = arith.select %gt3A, %mul3A_167, %broadcast_in_dim3A_169 : vector<16xf32>
      %swap3A = arith.index_cast %scan3A_106 : i32 to index
      %swap3A_171 = tpu.vector_load %arg28[%swap3A] {strides = array<i32>} : memref<336xf32, #tpu.memory_space<vmem>>, vector<16xf32>,
      %swap3A_172 = vector.shape_cast %swap3A_171 : vector<16xf32> to vector<16xf32>
      %swap3A_173 = vector.shape_cast %select_n3A_170 : vector<16xf32> to vector<16xf32>
      tpu.vector_store %arg28[%swap3A], %swap3A_173 {strides = array<i32>} : memref<336xf32, #tpu.memory_space<vmem>>, vector<16xf32>,
      %mul3A_174 = arith.constant 16 : i32
      %mul3A_175 = arith.muli %scan3A_106, %mul3A_174 : i32
      %get3A_176 = arith.index_cast %mul3A_175 : i32 to index
      %get3A_177 = tpu.vector_load %arg22[%get3A_176] {strides = array<i32>} : memref<5120xf32, #tpu.memory_space<vmem>>, vector<16xf32>,
      %get3A_178 = vector.shape_cast %get3A_177 : vector<16xf32> to vector<16xf32>
      %slice3A_179 = vector.extract_strided_slice %get3A_178 {offsets = [0], sizes = [1], strides = [1]} : vector<16xf32> to vector<1xf32>
      %squeeze3A_180 = vector.extract %slice3A_179[0] : f32 from vector<1xf32>
      %broadcast_in_dim3A_181 = vector.broadcast %squeeze3A_180 : f32 to vector<16xf32>
      %swap3A_182 = arith.index_cast %scan3A_106 : i32 to index
      %swap3A_183 = tpu.vector_load %arg22[%swap3A_182] {strides = array<i32>} : memref<5120xf32, #tpu.memory_space<vmem>>, vector<16xf32>,
      %swap3A_184 = vector.shape_cast %swap3A_183 : vector<16xf32> to vector<16xf32>
      %swap3A_185 = vector.shape_cast %broadcast_in_dim3A_181 : vector<16xf32> to vector<16xf32>
      tpu.vector_store %arg22[%swap3A_182], %swap3A_185 {strides = array<i32>} : memref<5120xf32, #tpu.memory_space<vmem>>, vector<16xf32>,
      %mul3A_186 = arith.constant 16 : i32
      %mul3A_187 = arith.muli %scan3A_106, %mul3A_186 : i32
      %get3A_188 = arith.index_cast %mul3A_187 : i32 to index
      %get3A_189 = tpu.vector_load %arg23[%get3A_188] {strides = array<i32>} : memref<5120xf32, #tpu.memory_space<vmem>>, vector<16xf32>,
      %get3A_190 = vector.shape_cast %get3A_189 : vector<16xf32> to vector<16xf32>
      %slice3A_191 = vector.extract_strided_slice %get3A_190 {offsets = [0], sizes = [1], strides = [1]} : vector<16xf32> to vector<1xf32>
      %squeeze3A_192 = vector.extract %slice3A_191[0] : f32 from vector<1xf32>
      %broadcast_in_dim3A_193 = vector.broadcast %squeeze3A_192 : f32 to vector<16xf32>
      %swap3A_194 = arith.index_cast %scan3A_106 : i32 to index
      %swap3A_195 = tpu.vector_load %arg23[%swap3A_194] {strides = array<i32>} : memref<5120xf32, #tpu.memory_space<vmem>>, vector<16xf32>,
      %swap3A_196 = vector.shape_cast %swap3A_195 : vector<16xf32> to vector<16xf32>
      %swap3A_197 = vector.shape_cast %broadcast_in_dim3A_193 : vector<16xf32> to vector<16xf32>
      tpu.vector_store %arg23[%swap3A_194], %swap3A_197 {strides = array<i32>} : memref<5120xf32, #tpu.memory_space<vmem>>, vector<16xf32>,
      %mul3A_198 = arith.constant 16 : i32
      %mul3A_199 = arith.muli %scan3A_106, %mul3A_198 : i32
      %get3A_200 = arith.index_cast %mul3A_199 : i32 to index
      %get3A_201 = tpu.vector_load %arg24[%get3A_200] {strides = array<i32>} : memref<5120xf32, #tpu.memory_space<vmem>>, vector<16xf32>,
      %get3A_202 = vector.shape_cast %get3A_201 : vector<16xf32> to vector<16xf32>
      %slice3A_203 = vector.extract_strided_slice %get3A_202 {offsets = [0], sizes = [1], strides = [1]} : vector<16xf32> to vector<1xf32>
      %squeeze3A_204 = vector.extract %slice3A_203[0] : f32 from vector<1xf32>
      %broadcast_in_dim3A_205 = vector.broadcast %squeeze3A_204 : f32 to vector<16xf32>
      %swap3A_206 = arith.index_cast %scan3A_106 : i32 to index
      %swap3A_207 = tpu.vector_load %arg24[%swap3A_206] {strides = array<i32>} : memref<5120xf32, #tpu.memory_space<vmem>>, vector<16xf32>,
      %swap3A_208 = vector.shape_cast %swap3A_207 : vector<16xf32> to vector<16xf32>
      %swap3A_209 = vector.shape_cast %broadcast_in_dim3A_205 : vector<16xf32> to vector<16xf32>
      tpu.vector_store %arg24[%swap3A_206], %swap3A_209 {strides = array<i32>} : memref<5120xf32, #tpu.memory_space<vmem>>, vector<16xf32>,
      %scan3A_210 = arith.constant 0 : i32
      scf.yield %scan3A_210 : i32
    }
    %scan3A_68 = arith.constant 320 : i32
    %scan3A_69 = arith.constant 0 : i32
    %scan3A_70 = arith.constant 0 : i32
    %scan3A_71 = arith.constant 20 : i32
    %scan3A_72 = arith.addi %scan3A_70, %scan3A_71 : i32
    %scan3A_73 = arith.constant 1 : i32
    %scan3A_74 = scf.for %scan3A_106 = %scan3A_70 to %scan3A_72 step %scan3A_73 iter_args(%scan3A_107 = %scan3A_69) -> (i32)  : i32 {
      %mul3A_108 = arith.constant 16 : i32
      %mul3A_109 = arith.muli %mul3A_108, %scan3A_106 : i32
      %get3A_110 = arith.index_cast %mul3A_109 : i32 to index
      %get3A_111 = tpu.vector_load %arg28[%get3A_110] {strides = array<i32>} : memref<336xf32, #tpu.memory_space<vmem>>, vector<16xf32>,
      %get3A_112 = vector.shape_cast %get3A_111 : vector<16xf32> to vector<16xf32>
      %gt3A = arith.constant 0.000000e+00 : f32
      %gt3A_113 = vector.broadcast %gt3A : f32 to vector<16xf32>
      %gt3A_114 = arith.cmpf ogt, %get3A_112, %gt3A_113 : vector<16xf32>
      %mul3A_115 = arith.constant 2.000000e+00 : f32
      %mul3A_116 = vector.broadcast %mul3A_115 : f32 to vector<16xf32>
      %mul3A_117 = arith.mulf %mul3A_116, %get3A_112 : vector<16xf32>
      %add3A_118 = arith.constant 9.99999993E-9 : f32
      %add3A_119 = vector.broadcast %add3A_118 : f32 to vector<16xf32>
      %add3A_120 = arith.addf %mul3A_117, %add3A_119 : vector<16xf32>
      %div3A = arith.constant 1.000000e+00 : f32
      %div3A_121 = vector.broadcast %div3A : f32 to vector<16xf32>
      %div3A_122 = arith.divf %div3A_121, %add3A_120 : vector<16xf32>
      %mul3A_123 = arith.constant 16 : i32
      %mul3A_124 = arith.muli %mul3A_123, %scan3A_106 : i32
      %get3A_125 = arith.index_cast %mul3A_109 : i32 to index
      %get3A_126 = tpu.vector_load %arg22[%get3A_125] {strides = array<i32>} : memref<5120xf32, #tpu.memory_space<vmem>>, vector<16xf32>,
      %get3A_127 = vector.shape_cast %get3A_126 : vector<16xf32> to vector<16xf32>
      %get3A_128 = arith.index_cast %mul3A_109 : i32 to index
      %get3A_129 = tpu.vector_load %arg25[%get3A_128] {strides = array<i32>} : memref<336xf32, #tpu.memory_space<vmem>>, vector<16xf32>,
      %get3A_130 = vector.shape_cast %get3A_129 : vector<16xf32> to vector<16xf32>
      %sub3A_131 = arith.subf %get3A_127, %get3A_130 : vector<16xf32>
      %mul3A_132 = arith.mulf %sub3A_131, %div3A_122 : vector<16xf32>
      %select_n3A = arith.select %gt3A_114, %mul3A_132, %broadcast_in_dim3A_3 : vector<16xi1>, vector<16xf32>
      %swap3A = arith.index_cast %mul3A_124 : i32 to index
      %swap3A_133 = tpu.vector_load %arg18[%swap3A] {strides = array<i32>} : memref<1280xf32, #tpu.memory_space<vmem>>, vector<16xf32>,
      %swap3A_134 = vector.shape_cast %swap3A_133 : vector<16xf32> to vector<16xf32>
      %swap3A_135 = vector.shape_cast %select_n3A : vector<16xf32> to vector<16xf32>
      tpu.vector_store %arg18[%swap3A], %swap3A_135 {strides = array<i32>} : memref<1280xf32, #tpu.memory_space<vmem>>, vector<16xf32>,
      %get3A_136 = arith.index_cast %mul3A_109 : i32 to index
      %get3A_137 = tpu.vector_load %arg23[%get3A_136] {strides = array<i32>} : memref<5120xf32, #tpu.memory_space<vmem>>, vector<16xf32>,
      %get3A_138 = vector.shape_cast %get3A_137 : vector<16xf32> to vector<16xf32>
      %get3A_139 = arith.index_cast %mul3A_109 : i32 to index
      %get3A_140 = tpu.vector_load %arg26[%get3A_139] {strides = array<i32>} : memref<336xf32, #tpu.memory_space<vmem>>, vector<16xf32>,
      %get3A_141 = vector.shape_cast %get3A_140 : vector<16xf32> to vector<16xf32>
      %sub3A_142 = arith.subf %get3A_138, %get3A_141 : vector<16xf32>
      %mul3A_143 = arith.mulf %sub3A_142, %div3A_122 : vector<16xf32>
      %select_n3A_144 = arith.select %gt3A_114, %mul3A_143, %broadcast_in_dim3A_3 : vector<16xi1>, vector<16xf32>
      %add3A_145 = arith.constant 320 : i32
      %add3A_146 = arith.addi %add3A_145, %mul3A_124 : i32
      %swap3A_147 = arith.index_cast %add3A_146 : i32 to index
      %swap3A_148 = tpu.vector_load %arg18[%swap3A_147] {strides = array<i32>} : memref<1280xf32, #tpu.memory_space<vmem>>, vector<16xf32>,
      %swap3A_149 = vector.shape_cast %swap3A_148 : vector<16xf32> to vector<16xf32>
      %swap3A_150 = vector.shape_cast %select_n3A_144 : vector<16xf32> to vector<16xf32>
      tpu.vector_store %arg18[%swap3A_147], %swap3A_150 {strides = array<i32>} : memref<1280xf32, #tpu.memory_space<vmem>>, vector<16xf32>,
      %get3A_151 = arith.index_cast %mul3A_109 : i32 to index
      %get3A_152 = tpu.vector_load %arg24[%get3A_151] {strides = array<i32>} : memref<5120xf32, #tpu.memory_space<vmem>>, vector<16xf32>,
      %get3A_153 = vector.shape_cast %get3A_152 : vector<16xf32> to vector<16xf32>
      %get3A_154 = arith.index_cast %mul3A_109 : i32 to index
      %get3A_155 = tpu.vector_load %arg27[%get3A_154] {strides = array<i32>} : memref<336xf32, #tpu.memory_space<vmem>>, vector<16xf32>,
      %get3A_156 = vector.shape_cast %get3A_155 : vector<16xf32> to vector<16xf32>
      %sub3A_157 = arith.subf %get3A_153, %get3A_156 : vector<16xf32>
      %mul3A_158 = arith.mulf %sub3A_157, %div3A_122 : vector<16xf32>
      %select_n3A_159 = arith.select %gt3A_114, %mul3A_158, %broadcast_in_dim3A_3 : vector<16xi1>, vector<16xf32>
      %add3A_160 = arith.constant 640 : i32
      %add3A_161 = arith.addi %add3A_160, %mul3A_124 : i32
      %swap3A_162 = arith.index_cast %add3A_161 : i32 to index
      %swap3A_163 = tpu.vector_load %arg18[%swap3A_162] {strides = array<i32>} : memref<1280xf32, #tpu.memory_space<vmem>>, vector<16xf32>,
      %swap3A_164 = vector.shape_cast %swap3A_163 : vector<16xf32> to vector<16xf32>
      %swap3A_165 = vector.shape_cast %select_n3A_159 : vector<16xf32> to vector<16xf32>
      tpu.vector_store %arg18[%swap3A_162], %swap3A_165 {strides = array<i32>} : memref<1280xf32, #tpu.memory_space<vmem>>, vector<16xf32>,
      %add3A_166 = arith.constant 960 : i32
      %add3A_167 = arith.addi %add3A_166, %mul3A_124 : i32
      %swap3A_168 = arith.index_cast %add3A_167 : i32 to index
      %swap3A_169 = tpu.vector_load %arg18[%swap3A_168] {strides = array<i32>} : memref<1280xf32, #tpu.memory_space<vmem>>, vector<16xf32>,
      %swap3A_170 = vector.shape_cast %swap3A_169 : vector<16xf32> to vector<16xf32>
      %swap3A_171 = vector.shape_cast %mul3A_117 : vector<16xf32> to vector<16xf32>
      tpu.vector_store %arg18[%swap3A_168], %swap3A_171 {strides = array<i32>} : memref<1280xf32, #tpu.memory_space<vmem>>, vector<16xf32>,
      %scan3A_172 = arith.constant 0 : i32
      scf.yield %scan3A_172 : i32
    }
    %scan3A_75 = arith.constant 20 : i32
    %scan3A_76 = arith.constant 0 : i32
    %scan3A_77 = arith.constant 56 : i32
    %scan3A_78 = arith.addi %scan3A_76, %scan3A_77 : i32
    %scan3A_79 = arith.constant 1 : i32
    %scan3A_80:8 = scf.for %scan3A_106 = %scan3A_76 to %scan3A_78 step %scan3A_79 iter_args(%scan3A_107 = %broadcast_in_dim3A_5, %scan3A_108 = %broadcast_in_dim3A_5, %scan3A_109 = %broadcast_in_dim3A_5, %scan3A_110 = %broadcast_in_dim3A_5, %scan3A_111 = %broadcast_in_dim3A_5, %scan3A_112 = %broadcast_in_dim3A_5, %scan3A_113 = %broadcast_in_dim3A_5, %scan3A_114 = %broadcast_in_dim3A_5) -> (vector<16xf32>, vector<16xf32>, vector<16xf32>, vector<16xf32>, vector<16xf32>, vector<16xf32>, vector<16xf32>, vector<16xf32>)  : i32 {
      %mul3A_115 = arith.constant 1 : i32
      %mul3A_116 = arith.muli %scan3A_106, %mul3A_115 : i32
      %add3A_117 = arith.constant 0 : i32
      %add3A_118 = arith.addi %add3A_117, %mul3A_116 : i32
      %mul3A_119 = arith.constant 256 : i32
      %mul3A_120 = arith.muli %add3A_118, %mul3A_119 : i32
      %add3A_121 = arith.addi %squeeze3A, %mul3A_120 : i32
      %sub3A_122 = arith.subi %squeeze3A_27, %add3A_121 : i32
      %min3A = arith.constant 256 : i32
      %min3A_123 = arith.minsi %min3A, %sub3A_122 : i32
      %not3A_124 = arith.constant 7 : i32
      %not3A_125 = arith.constant -1 : i32
      %not3A_126 = arith.xori %not3A_124, %not3A_125 : i32
      %and3A_127 = arith.andi %add3A_121, %not3A_126 : i32
      %min3A_128 = arith.constant 319736 : i32
      %min3A_129 = arith.minsi %and3A_127, %min3A_128 : i32
      %multiple_of3A_130 = tpu.assume_multiple %min3A_129, 8 : i32
      %sub3A_131 = arith.subi %add3A_121, %multiple_of3A_130 : i32
      %not3A_132 = arith.constant 127 : i32
      %not3A_133 = arith.constant -1 : i32
      %not3A_134 = arith.xori %not3A_132, %not3A_133 : i32
      %and3A_135 = arith.andi %add3A_121, %not3A_134 : i32
      %min3A_136 = arith.constant 323584 : i32
      %min3A_137 = arith.minsi %and3A_135, %min3A_136 : i32
      %multiple_of3A_138 = tpu.assume_multiple %min3A_137, 128 : i32
      %sub3A_139 = arith.subi %add3A_121, %multiple_of3A_138 : i32
      %dma_start3A_140 = arith.constant 0 : i32
      %dma_start3A_141 = tpu.memref_slice %arg5[%multiple_of3A_130, %dma_start3A_140] : memref<320000x128xf32, #tpu.memory_space<hbm>> -> memref<264x128xf32, #tpu.memory_space<hbm>>
      %dma_start3A_142 = arith.constant 0 : i32
      %dma_start3A_143 = tpu.memref_slice %arg5[%multiple_of3A_130, %dma_start3A_142] : memref<320000x128xf32, #tpu.memory_space<hbm>> -> memref<264x128xf32, #tpu.memory_space<hbm>>
      tpu.enqueue_dma source(%dma_start3A_143 : memref<264x128xf32, #tpu.memory_space<hbm>>) target(%arg15 : memref<264x128xf32, #tpu.memory_space<vmem>>) target_semaphore(%arg29 : memref<!tpu.dma_semaphore, #tpu.memory_space<semaphore_mem>>)
      %dma_wait3A_144 = arith.constant 0 : i32
      %dma_wait3A_145 = tpu.memref_slice %arg5[%multiple_of3A_130, %dma_wait3A_144] : memref<320000x128xf32, #tpu.memory_space<hbm>> -> memref<264x128xf32, #tpu.memory_space<hbm>>
      %dma_wait3A_146 = arith.constant 0 : i32
      %dma_wait3A_147 = tpu.memref_slice %arg5[%multiple_of3A_130, %dma_wait3A_146] : memref<320000x128xf32, #tpu.memory_space<hbm>> -> memref<264x128xf32, #tpu.memory_space<hbm>>
      tpu.wait_dma2 semaphore(%arg29 : memref<!tpu.dma_semaphore, #tpu.memory_space<semaphore_mem>>) src(%dma_wait3A_147 : memref<264x128xf32, #tpu.memory_space<hbm>>) dst(%arg15 : memref<264x128xf32, #tpu.memory_space<vmem>>)
      %dma_start3A_148 = arith.constant 0 : i32
      %dma_start3A_149 = tpu.memref_slice %arg16[%dma_start3A_148] : memref<528xi32, #tpu.memory_space<vmem>> -> memref<512xi32, #tpu.memory_space<vmem>>
      %dma_start3A_150 = tpu.memref_slice %arg7[%multiple_of3A_138] : memref<324096xi32, #tpu.memory_space<hbm>> -> memref<512xi32, #tpu.memory_space<hbm>>
      %dma_start3A_151 = arith.constant 0 : i32
      %dma_start3A_152 = tpu.memref_slice %arg16[%dma_start3A_151] : memref<528xi32, #tpu.memory_space<vmem>> -> memref<512xi32, #tpu.memory_space<vmem>>
      %dma_start3A_153 = tpu.memref_slice %arg7[%multiple_of3A_138] : memref<324096xi32, #tpu.memory_space<hbm>> -> memref<512xi32, #tpu.memory_space<hbm>>
      tpu.enqueue_dma source(%dma_start3A_153 : memref<512xi32, #tpu.memory_space<hbm>>) target(%dma_start3A_152 : memref<512xi32, #tpu.memory_space<vmem>>) target_semaphore(%arg29 : memref<!tpu.dma_semaphore, #tpu.memory_space<semaphore_mem>>)
      %dma_wait3A_154 = arith.constant 0 : i32
      %dma_wait3A_155 = tpu.memref_slice %arg16[%dma_wait3A_154] : memref<528xi32, #tpu.memory_space<vmem>> -> memref<512xi32, #tpu.memory_space<vmem>>
      %dma_wait3A_156 = tpu.memref_slice %arg7[%multiple_of3A_138] : memref<324096xi32, #tpu.memory_space<hbm>> -> memref<512xi32, #tpu.memory_space<hbm>>
      %dma_wait3A_157 = arith.constant 0 : i32
      %dma_wait3A_158 = tpu.memref_slice %arg16[%dma_wait3A_157] : memref<528xi32, #tpu.memory_space<vmem>> -> memref<512xi32, #tpu.memory_space<vmem>>
      %dma_wait3A_159 = tpu.memref_slice %arg7[%multiple_of3A_138] : memref<324096xi32, #tpu.memory_space<hbm>> -> memref<512xi32, #tpu.memory_space<hbm>>
      tpu.wait_dma2 semaphore(%arg29 : memref<!tpu.dma_semaphore, #tpu.memory_space<semaphore_mem>>) src(%dma_wait3A_159 : memref<512xi32, #tpu.memory_space<hbm>>) dst(%dma_wait3A_158 : memref<512xi32, #tpu.memory_space<vmem>>)
      %scan3A_160 = arith.constant 0 : i32
      %scan3A_161 = arith.constant 256 : i32
      %scan3A_162 = arith.addi %scan3A_160, %scan3A_161 : i32
      %scan3A_163 = arith.constant 1 : i32
      %scan3A_164:8 = scf.for %scan3A_166 = %scan3A_160 to %scan3A_162 step %scan3A_163 iter_args(%scan3A_167 = %scan3A_107, %scan3A_168 = %scan3A_108, %scan3A_169 = %scan3A_109, %scan3A_170 = %scan3A_110, %scan3A_171 = %scan3A_111, %scan3A_172 = %scan3A_112, %scan3A_173 = %scan3A_113, %scan3A_174 = %scan3A_114) -> (vector<16xf32>, vector<16xf32>, vector<16xf32>, vector<16xf32>, vector<16xf32>, vector<16xf32>, vector<16xf32>, vector<16xf32>)  : i32 {
        %lt3A = arith.cmpi slt, %scan3A_166, %min3A_123 : i32
        %add3A_175 = arith.addi %scan3A_166, %sub3A_139 : i32
        %get3A_176 = arith.index_cast %add3A_175 : i32 to index
        %get3A_177 = tpu.vector_load %arg16[%get3A_176] {strides = array<i32>} : memref<528xi32, #tpu.memory_space<vmem>>, vector<16xi32>,
        %get3A_178 = vector.shape_cast %get3A_177 : vector<16xi32> to vector<16xi32>
        %slice3A_179 = vector.extract_strided_slice %get3A_178 {offsets = [0], sizes = [1], strides = [1]} : vector<16xi32> to vector<1xi32>
        %squeeze3A_180 = vector.extract %slice3A_179[0] : i32 from vector<1xi32>
        %add3A_181 = arith.constant 1 : i32
        %add3A_182 = arith.addi %add3A_175, %add3A_181 : i32
        %get3A_183 = arith.index_cast %add3A_182 : i32 to index
        %get3A_184 = tpu.vector_load %arg16[%get3A_183] {strides = array<i32>} : memref<528xi32, #tpu.memory_space<vmem>>, vector<16xi32>,
        %get3A_185 = vector.shape_cast %get3A_184 : vector<16xi32> to vector<16xi32>
        %slice3A_186 = vector.extract_strided_slice %get3A_185 {offsets = [0], sizes = [1], strides = [1]} : vector<16xi32> to vector<1xi32>
        %squeeze3A_187 = vector.extract %slice3A_186[0] : i32 from vector<1xi32>
        %add3A_188 = arith.addi %scan3A_166, %sub3A_131 : i32
        %min3A_189 = arith.constant 263 : i32
        %min3A_190 = arith.minsi %add3A_188, %min3A_189 : i32
        %get3A_191 = arith.index_cast %min3A_190 : i32 to index
        %get3A_192 = arith.constant 0 : index
        %get3A_193 = tpu.vector_load %arg15[%get3A_191, %get3A_192] {strides = array<i32>} : memref<264x128xf32, #tpu.memory_space<vmem>>, vector<1x16xf32>,
        %get3A_194 = vector.shape_cast %get3A_193 : vector<1x16xf32> to vector<16xf32>
        %max3A = arith.maximumf %scan3A_167, %get3A_194 : vector<16xf32>
        %select_n3A = arith.select %lt3A, %max3A, %scan3A_167 : vector<16xf32>
        %get3A_195 = arith.index_cast %min3A_190 : i32 to index
        %get3A_196 = arith.constant 16 : index
        %get3A_197 = tpu.vector_load %arg15[%get3A_195, %get3A_196] {strides = array<i32>} : memref<264x128xf32, #tpu.memory_space<vmem>>, vector<1x16xf32>,
        %get3A_198 = vector.shape_cast %get3A_197 : vector<1x16xf32> to vector<16xf32>
        %max3A_199 = arith.maximumf %scan3A_168, %get3A_198 : vector<16xf32>
        %select_n3A_200 = arith.select %lt3A, %max3A_199, %scan3A_168 : vector<16xf32>
        %get3A_201 = arith.index_cast %min3A_190 : i32 to index
        %get3A_202 = arith.constant 32 : index
        %get3A_203 = tpu.vector_load %arg15[%get3A_201, %get3A_202] {strides = array<i32>} : memref<264x128xf32, #tpu.memory_space<vmem>>, vector<1x16xf32>,
        %get3A_204 = vector.shape_cast %get3A_203 : vector<1x16xf32> to vector<16xf32>
        %max3A_205 = arith.maximumf %scan3A_169, %get3A_204 : vector<16xf32>
        %select_n3A_206 = arith.select %lt3A, %max3A_205, %scan3A_169 : vector<16xf32>
        %get3A_207 = arith.index_cast %min3A_190 : i32 to index
        %get3A_208 = arith.constant 48 : index
        %get3A_209 = tpu.vector_load %arg15[%get3A_207, %get3A_208] {strides = array<i32>} : memref<264x128xf32, #tpu.memory_space<vmem>>, vector<1x16xf32>,
        %get3A_210 = vector.shape_cast %get3A_209 : vector<1x16xf32> to vector<16xf32>
        %max3A_211 = arith.maximumf %scan3A_170, %get3A_210 : vector<16xf32>
        %select_n3A_212 = arith.select %lt3A, %max3A_211, %scan3A_170 : vector<16xf32>
        %get3A_213 = arith.index_cast %min3A_190 : i32 to index
        %get3A_214 = arith.constant 64 : index
        %get3A_215 = tpu.vector_load %arg15[%get3A_213, %get3A_214] {strides = array<i32>} : memref<264x128xf32, #tpu.memory_space<vmem>>, vector<1x16xf32>,
        %get3A_216 = vector.shape_cast %get3A_215 : vector<1x16xf32> to vector<16xf32>
        %max3A_217 = arith.maximumf %scan3A_171, %get3A_216 : vector<16xf32>
        %select_n3A_218 = arith.select %lt3A, %max3A_217, %scan3A_171 : vector<16xf32>
        %get3A_219 = arith.index_cast %min3A_190 : i32 to index
        %get3A_220 = arith.constant 80 : index
        %get3A_221 = tpu.vector_load %arg15[%get3A_219, %get3A_220] {strides = array<i32>} : memref<264x128xf32, #tpu.memory_space<vmem>>, vector<1x16xf32>,
        %get3A_222 = vector.shape_cast %get3A_221 : vector<1x16xf32> to vector<16xf32>
        %max3A_223 = arith.maximumf %scan3A_172, %get3A_222 : vector<16xf32>
        %select_n3A_224 = arith.select %lt3A, %max3A_223, %scan3A_172 : vector<16xf32>
        %get3A_225 = arith.index_cast %min3A_190 : i32 to index
        %get3A_226 = arith.constant 96 : index
        %get3A_227 = tpu.vector_load %arg15[%get3A_225, %get3A_226] {strides = array<i32>} : memref<264x128xf32, #tpu.memory_space<vmem>>, vector<1x16xf32>,
        %get3A_228 = vector.shape_cast %get3A_227 : vector<1x16xf32> to vector<16xf32>
        %max3A_229 = arith.maximumf %scan3A_173, %get3A_228 : vector<16xf32>
        %select_n3A_230 = arith.select %lt3A, %max3A_229, %scan3A_173 : vector<16xf32>
        %get3A_231 = arith.index_cast %min3A_190 : i32 to index
        %get3A_232 = arith.constant 112 : index
        %get3A_233 = tpu.vector_load %arg15[%get3A_231, %get3A_232] {strides = array<i32>} : memref<264x128xf32, #tpu.memory_space<vmem>>, vector<1x16xf32>,
        %get3A_234 = vector.shape_cast %get3A_233 : vector<1x16xf32> to vector<16xf32>
        %max3A_235 = arith.maximumf %scan3A_174, %get3A_234 : vector<16xf32>
        %select_n3A_236 = arith.select %lt3A, %max3A_235, %scan3A_174 : vector<16xf32>
        %ne3A = arith.cmpi ne, %squeeze3A_187, %squeeze3A_180 : i32
        %and3A_237 = arith.andi %lt3A, %ne3A : i1
        %convert_element_type3A = arith.extui %and3A_237 : i1 to i32
        %cond3A = arith.constant 0 : i32
        %cond3A_238 = arith.cmpi ne, %convert_element_type3A, %cond3A : i32
        scf.if %cond3A_238 {
          %sub3A_247 = arith.subi %squeeze3A_180, %multiple_of3A : i32
          %get3A_248 = arith.index_cast %sub3A_247 : i32 to index
          %get3A_249 = arith.constant 0 : index
          %get3A_250 = tpu.vector_load %arg17[%get3A_248, %get3A_249] {strides = array<i32>} : memref<320x128xf32, #tpu.memory_space<vmem>>, vector<1x16xf32>,
          %get3A_251 = vector.shape_cast %get3A_250 : vector<1x16xf32> to vector<16xf32>
          %max3A_252 = arith.maximumf %get3A_251, %select_n3A : vector<16xf32>
          %swap3A = arith.index_cast %sub3A_247 : i32 to index
          %swap3A_253 = arith.constant 0 : index
          %swap3A_254 = tpu.vector_load %arg17[%swap3A, %swap3A_253] {strides = array<i32>} : memref<320x128xf32, #tpu.memory_space<vmem>>, vector<1x16xf32>,
          %swap3A_255 = vector.shape_cast %swap3A_254 : vector<1x16xf32> to vector<16xf32>
          %swap3A_256 = vector.shape_cast %max3A_252 : vector<16xf32> to vector<1x16xf32>
          tpu.vector_store %arg17[%swap3A, %swap3A_253], %swap3A_256 {strides = array<i32>} : memref<320x128xf32, #tpu.memory_space<vmem>>, vector<1x16xf32>,
          %get3A_257 = arith.index_cast %sub3A_247 : i32 to index
          %get3A_258 = arith.constant 16 : index
          %get3A_259 = tpu.vector_load %arg17[%get3A_257, %get3A_258] {strides = array<i32>} : memref<320x128xf32, #tpu.memory_space<vmem>>, vector<1x16xf32>,
          %get3A_260 = vector.shape_cast %get3A_259 : vector<1x16xf32> to vector<16xf32>
          %max3A_261 = arith.maximumf %get3A_260, %select_n3A_200 : vector<16xf32>
          %swap3A_262 = arith.index_cast %sub3A_247 : i32 to index
          %swap3A_263 = arith.constant 16 : index
          %swap3A_264 = tpu.vector_load %arg17[%swap3A_262, %swap3A_263] {strides = array<i32>} : memref<320x128xf32, #tpu.memory_space<vmem>>, vector<1x16xf32>,
          %swap3A_265 = vector.shape_cast %swap3A_264 : vector<1x16xf32> to vector<16xf32>
          %swap3A_266 = vector.shape_cast %max3A_261 : vector<16xf32> to vector<1x16xf32>
          tpu.vector_store %arg17[%swap3A_262, %swap3A_263], %swap3A_266 {strides = array<i32>} : memref<320x128xf32, #tpu.memory_space<vmem>>, vector<1x16xf32>,
          %get3A_267 = arith.index_cast %sub3A_247 : i32 to index
          %get3A_268 = arith.constant 32 : index
          %get3A_269 = tpu.vector_load %arg17[%get3A_267, %get3A_268] {strides = array<i32>} : memref<320x128xf32, #tpu.memory_space<vmem>>, vector<1x16xf32>,
          %get3A_270 = vector.shape_cast %get3A_269 : vector<1x16xf32> to vector<16xf32>
          %max3A_271 = arith.maximumf %get3A_270, %select_n3A_206 : vector<16xf32>
          %swap3A_272 = arith.index_cast %sub3A_247 : i32 to index
          %swap3A_273 = arith.constant 32 : index
          %swap3A_274 = tpu.vector_load %arg17[%swap3A_272, %swap3A_273] {strides = array<i32>} : memref<320x128xf32, #tpu.memory_space<vmem>>, vector<1x16xf32>,
          %swap3A_275 = vector.shape_cast %swap3A_274 : vector<1x16xf32> to vector<16xf32>
          %swap3A_276 = vector.shape_cast %max3A_271 : vector<16xf32> to vector<1x16xf32>
          tpu.vector_store %arg17[%swap3A_272, %swap3A_273], %swap3A_276 {strides = array<i32>} : memref<320x128xf32, #tpu.memory_space<vmem>>, vector<1x16xf32>,
          %get3A_277 = arith.index_cast %sub3A_247 : i32 to index
          %get3A_278 = arith.constant 48 : index
          %get3A_279 = tpu.vector_load %arg17[%get3A_277, %get3A_278] {strides = array<i32>} : memref<320x128xf32, #tpu.memory_space<vmem>>, vector<1x16xf32>,
          %get3A_280 = vector.shape_cast %get3A_279 : vector<1x16xf32> to vector<16xf32>
          %max3A_281 = arith.maximumf %get3A_280, %select_n3A_212 : vector<16xf32>
          %swap3A_282 = arith.index_cast %sub3A_247 : i32 to index
          %swap3A_283 = arith.constant 48 : index
          %swap3A_284 = tpu.vector_load %arg17[%swap3A_282, %swap3A_283] {strides = array<i32>} : memref<320x128xf32, #tpu.memory_space<vmem>>, vector<1x16xf32>,
          %swap3A_285 = vector.shape_cast %swap3A_284 : vector<1x16xf32> to vector<16xf32>
          %swap3A_286 = vector.shape_cast %max3A_281 : vector<16xf32> to vector<1x16xf32>
          tpu.vector_store %arg17[%swap3A_282, %swap3A_283], %swap3A_286 {strides = array<i32>} : memref<320x128xf32, #tpu.memory_space<vmem>>, vector<1x16xf32>,
          %get3A_287 = arith.index_cast %sub3A_247 : i32 to index
          %get3A_288 = arith.constant 64 : index
          %get3A_289 = tpu.vector_load %arg17[%get3A_287, %get3A_288] {strides = array<i32>} : memref<320x128xf32, #tpu.memory_space<vmem>>, vector<1x16xf32>,
          %get3A_290 = vector.shape_cast %get3A_289 : vector<1x16xf32> to vector<16xf32>
          %max3A_291 = arith.maximumf %get3A_290, %select_n3A_218 : vector<16xf32>
          %swap3A_292 = arith.index_cast %sub3A_247 : i32 to index
          %swap3A_293 = arith.constant 64 : index
          %swap3A_294 = tpu.vector_load %arg17[%swap3A_292, %swap3A_293] {strides = array<i32>} : memref<320x128xf32, #tpu.memory_space<vmem>>, vector<1x16xf32>,
          %swap3A_295 = vector.shape_cast %swap3A_294 : vector<1x16xf32> to vector<16xf32>
          %swap3A_296 = vector.shape_cast %max3A_291 : vector<16xf32> to vector<1x16xf32>
          tpu.vector_store %arg17[%swap3A_292, %swap3A_293], %swap3A_296 {strides = array<i32>} : memref<320x128xf32, #tpu.memory_space<vmem>>, vector<1x16xf32>,
          %get3A_297 = arith.index_cast %sub3A_247 : i32 to index
          %get3A_298 = arith.constant 80 : index
          %get3A_299 = tpu.vector_load %arg17[%get3A_297, %get3A_298] {strides = array<i32>} : memref<320x128xf32, #tpu.memory_space<vmem>>, vector<1x16xf32>,
          %get3A_300 = vector.shape_cast %get3A_299 : vector<1x16xf32> to vector<16xf32>
          %max3A_301 = arith.maximumf %get3A_300, %select_n3A_224 : vector<16xf32>
          %swap3A_302 = arith.index_cast %sub3A_247 : i32 to index
          %swap3A_303 = arith.constant 80 : index
          %swap3A_304 = tpu.vector_load %arg17[%swap3A_302, %swap3A_303] {strides = array<i32>} : memref<320x128xf32, #tpu.memory_space<vmem>>, vector<1x16xf32>,
          %swap3A_305 = vector.shape_cast %swap3A_304 : vector<1x16xf32> to vector<16xf32>
          %swap3A_306 = vector.shape_cast %max3A_301 : vector<16xf32> to vector<1x16xf32>
          tpu.vector_store %arg17[%swap3A_302, %swap3A_303], %swap3A_306 {strides = array<i32>} : memref<320x128xf32, #tpu.memory_space<vmem>>, vector<1x16xf32>,
          %get3A_307 = arith.index_cast %sub3A_247 : i32 to index
          %get3A_308 = arith.constant 96 : index
          %get3A_309 = tpu.vector_load %arg17[%get3A_307, %get3A_308] {strides = array<i32>} : memref<320x128xf32, #tpu.memory_space<vmem>>, vector<1x16xf32>,
          %get3A_310 = vector.shape_cast %get3A_309 : vector<1x16xf32> to vector<16xf32>
          %max3A_311 = arith.maximumf %get3A_310, %select_n3A_230 : vector<16xf32>
          %swap3A_312 = arith.index_cast %sub3A_247 : i32 to index
          %swap3A_313 = arith.constant 96 : index
          %swap3A_314 = tpu.vector_load %arg17[%swap3A_312, %swap3A_313] {strides = array<i32>} : memref<320x128xf32, #tpu.memory_space<vmem>>, vector<1x16xf32>,
          %swap3A_315 = vector.shape_cast %swap3A_314 : vector<1x16xf32> to vector<16xf32>
          %swap3A_316 = vector.shape_cast %max3A_311 : vector<16xf32> to vector<1x16xf32>
          tpu.vector_store %arg17[%swap3A_312, %swap3A_313], %swap3A_316 {strides = array<i32>} : memref<320x128xf32, #tpu.memory_space<vmem>>, vector<1x16xf32>,
          %get3A_317 = arith.index_cast %sub3A_247 : i32 to index
          %get3A_318 = arith.constant 112 : index
          %get3A_319 = tpu.vector_load %arg17[%get3A_317, %get3A_318] {strides = array<i32>} : memref<320x128xf32, #tpu.memory_space<vmem>>, vector<1x16xf32>,
          %get3A_320 = vector.shape_cast %get3A_319 : vector<1x16xf32> to vector<16xf32>
          %max3A_321 = arith.maximumf %get3A_320, %select_n3A_236 : vector<16xf32>
          %swap3A_322 = arith.index_cast %sub3A_247 : i32 to index
          %swap3A_323 = arith.constant 112 : index
          %swap3A_324 = tpu.vector_load %arg17[%swap3A_322, %swap3A_323] {strides = array<i32>} : memref<320x128xf32, #tpu.memory_space<vmem>>, vector<1x16xf32>,
          %swap3A_325 = vector.shape_cast %swap3A_324 : vector<1x16xf32> to vector<16xf32>
          %swap3A_326 = vector.shape_cast %max3A_321 : vector<16xf32> to vector<1x16xf32>
          tpu.vector_store %arg17[%swap3A_322, %swap3A_323], %swap3A_326 {strides = array<i32>} : memref<320x128xf32, #tpu.memory_space<vmem>>, vector<1x16xf32>,
        } else {
        }
        %select_n3A_239 = arith.select %and3A_237, %broadcast_in_dim3A_5, %select_n3A : vector<16xf32>
        %select_n3A_240 = arith.select %and3A_237, %broadcast_in_dim3A_5, %select_n3A_200 : vector<16xf32>
        %select_n3A_241 = arith.select %and3A_237, %broadcast_in_dim3A_5, %select_n3A_206 : vector<16xf32>
        %select_n3A_242 = arith.select %and3A_237, %broadcast_in_dim3A_5, %select_n3A_212 : vector<16xf32>
        %select_n3A_243 = arith.select %and3A_237, %broadcast_in_dim3A_5, %select_n3A_218 : vector<16xf32>
        %select_n3A_244 = arith.select %and3A_237, %broadcast_in_dim3A_5, %select_n3A_224 : vector<16xf32>
        %select_n3A_245 = arith.select %and3A_237, %broadcast_in_dim3A_5, %select_n3A_230 : vector<16xf32>
        %select_n3A_246 = arith.select %and3A_237, %broadcast_in_dim3A_5, %select_n3A_236 : vector<16xf32>
        scf.yield %select_n3A_239, %select_n3A_240, %select_n3A_241, %select_n3A_242, %select_n3A_243, %select_n3A_244, %select_n3A_245, %select_n3A_246 : vector<16xf32>, vector<16xf32>, vector<16xf32>, vector<16xf32>, vector<16xf32>, vector<16xf32>, vector<16xf32>, vector<16xf32>
      }
      %scan3A_165 = arith.constant 256 : i32
      scf.yield %scan3A_164#0, %scan3A_164#1, %scan3A_164#2, %scan3A_164#3, %scan3A_164#4, %scan3A_164#5, %scan3A_164#6, %scan3A_164#7 : vector<16xf32>, vector<16xf32>, vector<16xf32>, vector<16xf32>, vector<16xf32>, vector<16xf32>, vector<16xf32>, vector<16xf32>
    }
    %scan3A_81 = arith.constant 56 : i32
    %scan3A_82 = arith.constant 0 : i32
    %scan3A_83 = arith.constant 0 : i32
    %scan3A_84 = arith.constant 320 : i32
    %scan3A_85 = arith.addi %scan3A_83, %scan3A_84 : i32
    %scan3A_86 = arith.constant 1 : i32
    %scan3A_87 = scf.for %scan3A_106 = %scan3A_83 to %scan3A_85 step %scan3A_86 iter_args(%scan3A_107 = %scan3A_82) -> (i32)  : i32 {
      %add3A_108 = arith.addi %sub3A, %scan3A_106 : i32
      %get3A_109 = arith.index_cast %add3A_108 : i32 to index
      %get3A_110 = tpu.vector_load %arg10[%get3A_109] {strides = array<i32>} : memref<528xi32, #tpu.memory_space<vmem>>, vector<16xi32>,
      %get3A_111 = vector.shape_cast %get3A_110 : vector<16xi32> to vector<16xi32>
      %slice3A_112 = vector.extract_strided_slice %get3A_111 {offsets = [0], sizes = [1], strides = [1]} : vector<16xi32> to vector<1xi32>
      %squeeze3A_113 = vector.extract %slice3A_112[0] : i32 from vector<1xi32>
      %add3A_114 = arith.addi %sub3A, %scan3A_106 : i32
      %add3A_115 = arith.constant 1 : i32
      %add3A_116 = arith.addi %add3A_114, %add3A_115 : i32
      %get3A_117 = arith.index_cast %add3A_116 : i32 to index
      %get3A_118 = tpu.vector_load %arg10[%get3A_117] {strides = array<i32>} : memref<528xi32, #tpu.memory_space<vmem>>, vector<16xi32>,
      %get3A_119 = vector.shape_cast %get3A_118 : vector<16xi32> to vector<16xi32>
      %slice3A_120 = vector.extract_strided_slice %get3A_119 {offsets = [0], sizes = [1], strides = [1]} : vector<16xi32> to vector<1xi32>
      %squeeze3A_121 = vector.extract %slice3A_120[0] : i32 from vector<1xi32>
      %gt3A = arith.cmpi sgt, %squeeze3A_121, %squeeze3A_113 : i32
      %get3A_122 = arith.index_cast %scan3A_106 : i32 to index
      %get3A_123 = arith.constant 0 : index
      %get3A_124 = tpu.vector_load %arg17[%get3A_122, %get3A_123] {strides = array<i32>} : memref<320x128xf32, #tpu.memory_space<vmem>>, vector<1x16xf32>,
      %get3A_125 = vector.shape_cast %get3A_124 : vector<1x16xf32> to vector<16xf32>
      %select_n3A = arith.select %gt3A, %get3A_125, %broadcast_in_dim3A_3 : vector<16xf32>
      %swap3A = arith.index_cast %scan3A_106 : i32 to index
      %swap3A_126 = arith.constant 0 : index
      %swap3A_127 = tpu.vector_load %arg17[%swap3A, %swap3A_126] {strides = array<i32>} : memref<320x128xf32, #tpu.memory_space<vmem>>, vector<1x16xf32>,
      %swap3A_128 = vector.shape_cast %swap3A_127 : vector<1x16xf32> to vector<16xf32>
      %swap3A_129 = vector.shape_cast %select_n3A : vector<16xf32> to vector<1x16xf32>
      tpu.vector_store %arg17[%swap3A, %swap3A_126], %swap3A_129 {strides = array<i32>} : memref<320x128xf32, #tpu.memory_space<vmem>>, vector<1x16xf32>,
      %get3A_130 = arith.index_cast %scan3A_106 : i32 to index
      %get3A_131 = arith.constant 16 : index
      %get3A_132 = tpu.vector_load %arg17[%get3A_130, %get3A_131] {strides = array<i32>} : memref<320x128xf32, #tpu.memory_space<vmem>>, vector<1x16xf32>,
      %get3A_133 = vector.shape_cast %get3A_132 : vector<1x16xf32> to vector<16xf32>
      %select_n3A_134 = arith.select %gt3A, %get3A_133, %broadcast_in_dim3A_3 : vector<16xf32>
      %swap3A_135 = arith.index_cast %scan3A_106 : i32 to index
      %swap3A_136 = arith.constant 16 : index
      %swap3A_137 = tpu.vector_load %arg17[%swap3A_135, %swap3A_136] {strides = array<i32>} : memref<320x128xf32, #tpu.memory_space<vmem>>, vector<1x16xf32>,
      %swap3A_138 = vector.shape_cast %swap3A_137 : vector<1x16xf32> to vector<16xf32>
      %swap3A_139 = vector.shape_cast %select_n3A_134 : vector<16xf32> to vector<1x16xf32>
      tpu.vector_store %arg17[%swap3A_135, %swap3A_136], %swap3A_139 {strides = array<i32>} : memref<320x128xf32, #tpu.memory_space<vmem>>, vector<1x16xf32>,
      %get3A_140 = arith.index_cast %scan3A_106 : i32 to index
      %get3A_141 = arith.constant 32 : index
      %get3A_142 = tpu.vector_load %arg17[%get3A_140, %get3A_141] {strides = array<i32>} : memref<320x128xf32, #tpu.memory_space<vmem>>, vector<1x16xf32>,
      %get3A_143 = vector.shape_cast %get3A_142 : vector<1x16xf32> to vector<16xf32>
      %select_n3A_144 = arith.select %gt3A, %get3A_143, %broadcast_in_dim3A_3 : vector<16xf32>
      %swap3A_145 = arith.index_cast %scan3A_106 : i32 to index
      %swap3A_146 = arith.constant 32 : index
      %swap3A_147 = tpu.vector_load %arg17[%swap3A_145, %swap3A_146] {strides = array<i32>} : memref<320x128xf32, #tpu.memory_space<vmem>>, vector<1x16xf32>,
      %swap3A_148 = vector.shape_cast %swap3A_147 : vector<1x16xf32> to vector<16xf32>
      %swap3A_149 = vector.shape_cast %select_n3A_144 : vector<16xf32> to vector<1x16xf32>
      tpu.vector_store %arg17[%swap3A_145, %swap3A_146], %swap3A_149 {strides = array<i32>} : memref<320x128xf32, #tpu.memory_space<vmem>>, vector<1x16xf32>,
      %get3A_150 = arith.index_cast %scan3A_106 : i32 to index
      %get3A_151 = arith.constant 48 : index
      %get3A_152 = tpu.vector_load %arg17[%get3A_150, %get3A_151] {strides = array<i32>} : memref<320x128xf32, #tpu.memory_space<vmem>>, vector<1x16xf32>,
      %get3A_153 = vector.shape_cast %get3A_152 : vector<1x16xf32> to vector<16xf32>
      %select_n3A_154 = arith.select %gt3A, %get3A_153, %broadcast_in_dim3A_3 : vector<16xf32>
      %swap3A_155 = arith.index_cast %scan3A_106 : i32 to index
      %swap3A_156 = arith.constant 48 : index
      %swap3A_157 = tpu.vector_load %arg17[%swap3A_155, %swap3A_156] {strides = array<i32>} : memref<320x128xf32, #tpu.memory_space<vmem>>, vector<1x16xf32>,
      %swap3A_158 = vector.shape_cast %swap3A_157 : vector<1x16xf32> to vector<16xf32>
      %swap3A_159 = vector.shape_cast %select_n3A_154 : vector<16xf32> to vector<1x16xf32>
      tpu.vector_store %arg17[%swap3A_155, %swap3A_156], %swap3A_159 {strides = array<i32>} : memref<320x128xf32, #tpu.memory_space<vmem>>, vector<1x16xf32>,
      %get3A_160 = arith.index_cast %scan3A_106 : i32 to index
      %get3A_161 = arith.constant 64 : index
      %get3A_162 = tpu.vector_load %arg17[%get3A_160, %get3A_161] {strides = array<i32>} : memref<320x128xf32, #tpu.memory_space<vmem>>, vector<1x16xf32>,
      %get3A_163 = vector.shape_cast %get3A_162 : vector<1x16xf32> to vector<16xf32>
      %select_n3A_164 = arith.select %gt3A, %get3A_163, %broadcast_in_dim3A_3 : vector<16xf32>
      %swap3A_165 = arith.index_cast %scan3A_106 : i32 to index
      %swap3A_166 = arith.constant 64 : index
      %swap3A_167 = tpu.vector_load %arg17[%swap3A_165, %swap3A_166] {strides = array<i32>} : memref<320x128xf32, #tpu.memory_space<vmem>>, vector<1x16xf32>,
      %swap3A_168 = vector.shape_cast %swap3A_167 : vector<1x16xf32> to vector<16xf32>
      %swap3A_169 = vector.shape_cast %select_n3A_164 : vector<16xf32> to vector<1x16xf32>
      tpu.vector_store %arg17[%swap3A_165, %swap3A_166], %swap3A_169 {strides = array<i32>} : memref<320x128xf32, #tpu.memory_space<vmem>>, vector<1x16xf32>,
      %get3A_170 = arith.index_cast %scan3A_106 : i32 to index
      %get3A_171 = arith.constant 80 : index
      %get3A_172 = tpu.vector_load %arg17[%get3A_170, %get3A_171] {strides = array<i32>} : memref<320x128xf32, #tpu.memory_space<vmem>>, vector<1x16xf32>,
      %get3A_173 = vector.shape_cast %get3A_172 : vector<1x16xf32> to vector<16xf32>
      %select_n3A_174 = arith.select %gt3A, %get3A_173, %broadcast_in_dim3A_3 : vector<16xf32>
      %swap3A_175 = arith.index_cast %scan3A_106 : i32 to index
      %swap3A_176 = arith.constant 80 : index
      %swap3A_177 = tpu.vector_load %arg17[%swap3A_175, %swap3A_176] {strides = array<i32>} : memref<320x128xf32, #tpu.memory_space<vmem>>, vector<1x16xf32>,
      %swap3A_178 = vector.shape_cast %swap3A_177 : vector<1x16xf32> to vector<16xf32>
      %swap3A_179 = vector.shape_cast %select_n3A_174 : vector<16xf32> to vector<1x16xf32>
      tpu.vector_store %arg17[%swap3A_175, %swap3A_176], %swap3A_179 {strides = array<i32>} : memref<320x128xf32, #tpu.memory_space<vmem>>, vector<1x16xf32>,
      %get3A_180 = arith.index_cast %scan3A_106 : i32 to index
      %get3A_181 = arith.constant 96 : index
      %get3A_182 = tpu.vector_load %arg17[%get3A_180, %get3A_181] {strides = array<i32>} : memref<320x128xf32, #tpu.memory_space<vmem>>, vector<1x16xf32>,
      %get3A_183 = vector.shape_cast %get3A_182 : vector<1x16xf32> to vector<16xf32>
      %select_n3A_184 = arith.select %gt3A, %get3A_183, %broadcast_in_dim3A_3 : vector<16xf32>
      %swap3A_185 = arith.index_cast %scan3A_106 : i32 to index
      %swap3A_186 = arith.constant 96 : index
      %swap3A_187 = tpu.vector_load %arg17[%swap3A_185, %swap3A_186] {strides = array<i32>} : memref<320x128xf32, #tpu.memory_space<vmem>>, vector<1x16xf32>,
      %swap3A_188 = vector.shape_cast %swap3A_187 : vector<1x16xf32> to vector<16xf32>
      %swap3A_189 = vector.shape_cast %select_n3A_184 : vector<16xf32> to vector<1x16xf32>
      tpu.vector_store %arg17[%swap3A_185, %swap3A_186], %swap3A_189 {strides = array<i32>} : memref<320x128xf32, #tpu.memory_space<vmem>>, vector<1x16xf32>,
      %get3A_190 = arith.index_cast %scan3A_106 : i32 to index
      %get3A_191 = arith.constant 112 : index
      %get3A_192 = tpu.vector_load %arg17[%get3A_190, %get3A_191] {strides = array<i32>} : memref<320x128xf32, #tpu.memory_space<vmem>>, vector<1x16xf32>,
      %get3A_193 = vector.shape_cast %get3A_192 : vector<1x16xf32> to vector<16xf32>
      %select_n3A_194 = arith.select %gt3A, %get3A_193, %broadcast_in_dim3A_3 : vector<16xf32>
      %swap3A_195 = arith.index_cast %scan3A_106 : i32 to index
      %swap3A_196 = arith.constant 112 : index
      %swap3A_197 = tpu.vector_load %arg17[%swap3A_195, %swap3A_196] {strides = array<i32>} : memref<320x128xf32, #tpu.memory_space<vmem>>, vector<1x16xf32>,
      %swap3A_198 = vector.shape_cast %swap3A_197 : vector<1x16xf32> to vector<16xf32>
      %swap3A_199 = vector.shape_cast %select_n3A_194 : vector<16xf32> to vector<1x16xf32>
      tpu.vector_store %arg17[%swap3A_195, %swap3A_196], %swap3A_199 {strides = array<i32>} : memref<320x128xf32, #tpu.memory_space<vmem>>, vector<1x16xf32>,
      %scan3A_200 = arith.constant 0 : i32
      scf.yield %scan3A_200 : i32
    }
    %scan3A_88 = arith.constant 320 : i32
    %dma_start3A_89 = arith.constant 0 : i32
    %dma_start3A_90 = tpu.memref_slice %arg8[%multiple_of3A, %dma_start3A_89] : memref<10240x128xf32, #tpu.memory_space<hbm>> -> memref<320x128xf32, #tpu.memory_space<hbm>>
    %dma_start3A_91 = arith.constant 0 : i32
    %dma_start3A_92 = tpu.memref_slice %arg8[%multiple_of3A, %dma_start3A_91] : memref<10240x128xf32, #tpu.memory_space<hbm>> -> memref<320x128xf32, #tpu.memory_space<hbm>>
    tpu.enqueue_dma source(%arg17 : memref<320x128xf32, #tpu.memory_space<vmem>>) target(%dma_start3A_92 : memref<320x128xf32, #tpu.memory_space<hbm>>) target_semaphore(%arg29 : memref<!tpu.dma_semaphore, #tpu.memory_space<semaphore_mem>>)
    %dma_wait3A_93 = arith.constant 0 : i32
    %dma_wait3A_94 = tpu.memref_slice %arg8[%multiple_of3A, %dma_wait3A_93] : memref<10240x128xf32, #tpu.memory_space<hbm>> -> memref<320x128xf32, #tpu.memory_space<hbm>>
    %dma_wait3A_95 = arith.constant 0 : i32
    %dma_wait3A_96 = tpu.memref_slice %arg8[%multiple_of3A, %dma_wait3A_95] : memref<10240x128xf32, #tpu.memory_space<hbm>> -> memref<320x128xf32, #tpu.memory_space<hbm>>
    tpu.wait_dma2 semaphore(%arg29 : memref<!tpu.dma_semaphore, #tpu.memory_space<semaphore_mem>>) src(%arg17 : memref<320x128xf32, #tpu.memory_space<vmem>>) dst(%dma_wait3A_96 : memref<320x128xf32, #tpu.memory_space<hbm>>)
    %mul3A_97 = arith.constant 4 : i32
    %mul3A_98 = arith.muli %add3A, %mul3A_97 : i32
    %mul3A_99 = arith.constant 320 : i32
    %mul3A_100 = arith.muli %mul3A_98, %mul3A_99 : i32
    %multiple_of3A_101 = tpu.assume_multiple %mul3A_100, 8 : i32
    %dma_start3A_102 = tpu.memref_slice %arg9[%multiple_of3A_101] : memref<40960xf32, #tpu.memory_space<hbm>> -> memref<1280xf32, #tpu.memory_space<hbm>>
    %dma_start3A_103 = tpu.memref_slice %arg9[%multiple_of3A_101] : memref<40960xf32, #tpu.memory_space<hbm>> -> memref<1280xf32, #tpu.memory_space<hbm>>
    tpu.enqueue_dma source(%arg18 : memref<1280xf32, #tpu.memory_space<vmem>>) target(%dma_start3A_103 : memref<1280xf32, #tpu.memory_space<hbm>>) target_semaphore(%arg29 : memref<!tpu.dma_semaphore, #tpu.memory_space<semaphore_mem>>)
    %dma_wait3A_104 = tpu.memref_slice %arg9[%multiple_of3A_101] : memref<40960xf32, #tpu.memory_space<hbm>> -> memref<1280xf32, #tpu.memory_space<hbm>>
    %dma_wait3A_105 = tpu.memref_slice %arg9[%multiple_of3A_101] : memref<40960xf32, #tpu.memory_space<hbm>> -> memref<1280xf32, #tpu.memory_space<hbm>>
    tpu.wait_dma2 semaphore(%arg29 : memref<!tpu.dma_semaphore, #tpu.memory_space<semaphore_mem>>) src(%arg18 : memref<1280xf32, #tpu.memory_space<vmem>>) dst(%dma_wait3A_105 : memref<1280xf32, #tpu.memory_space<hbm>>)
    return
  }
}

</mosaic_0001>

<sc_bundles>
// kernel: kernel.3.cloned.1.call-start
scs
__scs_entry_jumppad:
0x0: {  	(pc) =	sbr.rel $0x88, $3  }
0x1: {  	(tag) =	ssettag $0x0;
	lr =	simm.s32 $0x1  }
0x2: {  	[smem:$0x3F9E] =	sst lr;
	_ =	strace $0xD0000000  }
0x3: {  	_ = 	snop  }
0x4: {  	_ = 	snop  }
0x5: {  	_ = 	snop  }
0x6: {  	_ = 	snop  }
0x7: {  	_ = 	snop  }
__scs_overlays_trampoline_lowered:
0x8: {  	[smem:$0x3FAD] =	sst s0  }
0x9: {  	[smem:$0x3FAE] =	sst s1  }
0xa: {  	[smem:$0x3FAF] =	sst s2  }
0xb: {  	[smem:$0x3FB0] =	sst s3  }
0xc: {  	[smem:$0x3FB1] =	sst s4  }
0xd: {  	[smem:$0x3FB2] =	sst s5  }
0xe: {  	[smem:$0x3FB3] =	sst s6  }
0xf: {  	[smem:$0x3FB4] =	sst s7  }
0x10: {  	[smem:$0x3FB5] =	sst s8  }
0x11: {  	[smem:$0x3FB6] =	sst s9;
	s0 =	simm.s32 @!p0 $0x0  }
0x12: {  	s1 =	sld [smem:$0x3F9C];
	s0 =	simm.s32 @p0 $0x1  }
0x13: {  	[smem:$0x3FB7] =	sst s0;
	s0 =	simm.s32 @!p1 $0x0  }
0x14: {  	s2 =	sld [smem:$0x3F9B];
	s0 =	simm.s32 @p1 $0x1  }
0x15: {  	[smem:$0x3FB8] =	sst s0;
	s0 =	simm.s32 @!p2 $0x0  }
0x16: {  	s3 =	sld [smem:$0x3FDB];
	s0 =	simm.s32 @p2 $0x1  }
0x17: {  	s4 =	simm.s32 $0x1BF5;
	[smem:$0x3FBA] =	sst s0  }
0x18: {  	s0 =	sld [smem:$0x3F9D];
	_ =	swait.ge [sflag:s4], $0x0  }
0x19: {  	s7 =	sld [smem:$0x3F9E]  }
0x1a: {  	s8 =	sadd.s32 $0xFFFFE003, lr  }
0x1b: {  	s9 =	sadd.s32 $0xFFFFFEF7, lr;
	s5 =	simm.s32 $0xFFFFFFFF;
	p2 =	slt.u32 s8, $0xFFFFF086  }
0x1c: {  	p1 =	slt.u32 s9, $0xF7A;
	s5 =	simm.s32 @!p2 $0x0  }
0x1d: {  	s5 =	simm.s32 @p1 $0x1;
	p0 =	seq.s32 s7, s2  }
0x1e: {  	s7 =	smul.u32 @!p0 $0xF7A, s2;
	p2 =	seq.s32 @!p0 s5, $0x0  }
0x1f: {  	s9 =	smul.u32 $0xF7A, s1;
	s8 =	simm.s32 @!p0 $0x1BF5;
	p2 =	por !p2, p0  }
0x20: {  	[sflag:s8] =	ssyncset.s32 @!p0 $0xFFFFF086;
	s6 =	sadd.s32 @!p0 s3, s7;
	s7 =	simm.s32 @!p0 $0x108  }
0x21: {  	s3 =	sadd.s32 s3, s9;
	s6 =	sadd.s32 @!p0 $0x88, s6;
	s7 =	simm.s32 @p2 $0x1082  }
0x22: {  	[simem:s7], [sflag:s8] =	dma.local @!p0 [hbm:s6], $0xF7A  }
0x23: {  	s9 =	sor.u32 $0xD0000000, s2;
	s6 =	simm.s32 $0x108;
	_ =	swait.ge @!p0 [sflag:s8], $0x0  }
0x24: {  	s3 =	sadd.s32 $0x88, s3;
	s6 =	simm.s32 @!p1 $0x1082;
	[sflag:s4] =	ssyncset.s32 $0xFFFFF086  }
0x25: {  	[simem:s6], [sflag:s4] =	dma.local [hbm:s3], $0xF7A  }
0x26: {  	[smem:$0x3F9E] =	sst s1;
	(tag) =	ssettag s2;
	_ =	strace s9  }
0x27: {  	s1 =	sld [smem:$0x3FAE]  }
0x28: {  	s2 =	sld [smem:$0x3FAF]  }
0x29: {  	s4 =	sld [smem:$0x3FB1]  }
0x2a: {  	p0 =	seq.s32 s5, $0x0;
	s5 =	sld [smem:$0x3FB2]  }
0x2b: {  	s6 =	sld [smem:$0x3FB3]  }
0x2c: {  	s7 =	sld [smem:$0x3FB4]  }
0x2d: {  	s3 =	simm.s32 $0x108;
	s8 =	sld [smem:$0x3FB5]  }
0x2e: {  	s3 =	simm.s32 @!p0 $0x1082;
	s9 =	sld [smem:$0x3FB6]  }
0x2f: {  	lr =	sadd.s32 s0, s3;
	s0 =	sld [smem:$0x3FAD]  }
0x30: {  	s3 =	sld [smem:$0x3FB0]  }
0x31: {  	[smem:$0x3FB9] =	sst s10  }
0x32: {  	s10 =	sld [smem:$0x3FB7];
	_ =	sdelay $0x3  }
0x33: {  	p0 =	seq.s32 s10, $0x1;
	s10 =	sld [smem:$0x3FB9];
	_ =	sdelay $0x3  }
0x34: {  	[smem:$0x3FB9] =	sst s10  }
0x35: {  	s10 =	sld [smem:$0x3FB8];
	_ =	sdelay $0x3  }
0x36: {  	p1 =	seq.s32 s10, $0x1;
	s10 =	sld [smem:$0x3FB9];
	_ =	sdelay $0x3  }
0x37: {  	[smem:$0x3FB9] =	sst s10  }
0x38: {  	s10 =	sld [smem:$0x3FBA]  }
0x39: {  	_ = 	snop;
	(pc) =	sbr.ind lr, $3  }
0x3a: {  	_ = 	snop  }
0x3b: {  	_ = 	snop  }
0x3c: {  	p2 =	seq.s32 s10, $0x1;
	s10 =	sld [smem:$0x3FB9]  }
0x3d: {  	_ =	shalt  }
0x3e: {  	_ =	shalt  }
0x3f: {  	_ =	shalt  }
0x40: {  	_ =	shalt  }
0x41: {  	_ =	shalt  }
0x42: {  	_ =	shalt  }
0x43: {  	_ =	shalt  }
0x44: {  	_ =	shalt  }
0x45: {  	_ =	shalt  }
0x46: {  	_ =	shalt  }
0x47: {  	_ =	shalt  }
0x48: {  	_ =	shalt  }
0x49: {  	_ =	shalt  }
0x4a: {  	_ =	shalt  }
0x4b: {  	_ =	shalt  }
0x4c: {  	_ =	shalt  }
0x4d: {  	_ =	shalt  }
0x4e: {  	_ =	shalt  }
0x4f: {  	_ =	shalt  }
0x50: {  	_ =	shalt  }
0x51: {  	_ =	shalt  }
0x52: {  	_ =	shalt  }
0x53: {  	_ =	shalt  }
0x54: {  	_ =	shalt  }
0x55: {  	_ =	shalt  }
0x56: {  	_ =	shalt  }
0x57: {  	_ =	shalt  }
0x58: {  	_ =	shalt  }
0x59: {  	_ =	shalt  }
0x5a: {  	_ =	shalt  }
0x5b: {  	_ =	shalt  }
0x5c: {  	_ =	shalt  }
0x5d: {  	_ =	shalt  }
0x5e: {  	_ =	shalt  }
0x5f: {  	_ =	shalt  }
0x60: {  	_ =	shalt  }
0x61: {  	_ =	shalt  }
0x62: {  	_ =	shalt  }
0x63: {  	_ =	shalt  }
0x64: {  	_ =	shalt  }
0x65: {  	_ =	shalt  }
0x66: {  	_ =	shalt  }
0x67: {  	_ =	shalt  }
0x68: {  	_ =	shalt  }
0x69: {  	_ =	shalt  }
0x6a: {  	_ =	shalt  }
0x6b: {  	_ =	shalt  }
0x6c: {  	_ =	shalt  }
0x6d: {  	_ =	shalt  }
0x6e: {  	_ =	shalt  }
0x6f: {  	_ =	shalt  }
0x70: {  	_ =	shalt  }
0x71: {  	_ =	shalt  }
0x72: {  	_ =	shalt  }
0x73: {  	_ =	shalt  }
0x74: {  	_ =	shalt  }
0x75: {  	_ =	shalt  }
0x76: {  	_ =	shalt  }
0x77: {  	_ =	shalt  }
0x78: {  	_ =	shalt  }
0x79: {  	_ =	shalt  }
0x7a: {  	_ =	shalt  }
0x7b: {  	_ =	shalt  }
0x7c: {  	_ =	shalt  }
0x7d: {  	_ =	shalt  }
0x7e: {  	_ =	shalt  }
0x7f: {  	_ =	shalt  }
0x80: {  	_ =	shalt  }
0x81: {  	_ =	shalt  }
0x82: {  	_ =	shalt  }
0x83: {  	_ =	shalt  }
0x84: {  	_ =	shalt  }
0x85: {  	_ =	shalt  }
0x86: {  	_ =	shalt  }
0x87: {  	_ =	shalt  }
.Lfunc_end0:
.L_simem_size_0:
called_computation_lowered:
.L_overlay_start_0:
0x88: {  	s2 =	sld [smem:$0x3FD9]  }
0x89: {  	s3 =	sld [smem:$0x3FFE];
	_ =	sdelay $0x1  }
0x8a: {  	s1 =	srdreg.scid  }
0x8b: {  	s0 =	sand.u32 $0x1, s1  }
0x8c: {  	s17 =	sshll.u32 s0, $0xA;
	s2 =	sadd.s32 s3, s2  }
0x8d: {  	s2 =	sadd.s32 s2, s17  }
0x8e: {  	[smem:$0x3FC5] =	sst s2  }
0x8f: {  	_ = 	snop  }
0x90: {  	s2 =	sld [smem:$0x3FC8]  }
0x91: {  	s18 =	sld [smem:$0x3FD0];
	(tm) =	ssettm $0x1  }
0x92: {  	s4 =	sld [smem:$0x3FFB];
	_ =	sdelay $0x3  }
0x93: {  	_ =	strace s4  }
0x94: {  	s4 =	sld [smem:$0x3FFC];
	_ =	sdelay $0x3  }
0x95: {  	_ =	strace s4  }
0x96: {  	s4 =	sld [smem:$0x3FFD];
	_ =	sdelay $0x3  }
0x97: {  	_ =	strace s4  }
0x98: {  	_ =	strace $0x8FFFFFFF  }
0x99: {  	s19 =	sld [smem:$0x3FDB];
	_ =	sdelay $0x1  }
0x9a: {  	s5 =	simm.s32 $_scs_section_size  }
0x9b: {  	s6 =	simm.s32 $_size__tile_overlayer_lowered;
	s7 =	simm.s32 $_tile_overlayer_lowered  }
0x9c: {  	s22 =	simm.s32 $0x1BFF;
	s21 =	sshll.u32 s7, $0x1;
	s4 =	sadd.s32 s5, s19  }
0x9d: {  	s8 =	simm.s32 $0x0;
	s20 =	sshll.u32 s6, $0x1;
	s6 =	sadd.s32 s21, s4  }
0x9e: {  	[timem:s8], [sflag:s22] =	dma.local [hbm:s6], s20  }
0x9f: {  	_ =	swait.ge [sflag:s22], s20  }
0xa0: {  	s5 =	ssub.s32 $0x0, s20;
	[sflag:s22] =	ssyncset.done $0x0  }
0xa1: {  	[sflag:s22] =	ssyncadd.s32 s5;
	_ =	sdelay $0x1  }
0xa2: {  	s23 =	simm.s32 $0x1B8B  }
0xa3: {  	_ =	swait.ge [sflag:s23], $0x1  }
0xa4: {  	[sflag:s23] =	ssyncset.done $0x0  }
0xa5: {  	s25 =	simm.s32 $0x1B8E;
	s24 =	sld [smem:$0x3FFE];
	[sflag:s23] =	ssyncadd.s32 $0xFFFFFFFF  }
0xa6: {  	s26 =	simm.s32 $execute0_lowered;
	[smem:$0x3FD2] =	sst s25  }
0xa7: {  	s6 =	sshll.u32 s26, $0x1;
	_ =	strace $0x80000046;
	[dreg:$0x1] =	wrdreg $0xFFFFFFFF  }
0xa8: {  	s28 =	simm.s32 $_size_execute0_lowered;
	s4 =	sadd.s32 s4, s6;
	[dreg:$0x0] =	wrdreg $0x0  }
0xa9: {  	s6 =	sshll.u32 s28, $0x1;
	[dreg:$0x2] =	wrdreg s4  }
0xaa: {  	[dreg:$0x3] =	wrdreg s6  }
0xab: {  	[dreg:$0x4] =	wrdreg $0xC0  }
0xac: {  	_ =	task [dreg:s8], $0x5FFFF  }
0xad: {  	[dreg:$0x1] =	wrdreg $0xFFFFFFFF  }
0xae: {  	[dreg:$0x0] =	wrdreg $0x60  }
0xaf: {  	[dreg:$0x2] =	wrdreg s24  }
0xb0: {  	[dreg:$0x3] =	wrdreg s2  }
0xb1: {  	[dreg:$0x4] =	wrdreg s18  }
0xb2: {  	[dreg:$0x5] =	wrdreg $0x9  }
0xb3: {  	_ =	task.clear_ibuf [dreg:s8], $0x6FFFF;
	_ =	strace $0x90000046  }
0xb4: {  	s29 =	simm.s32 $0x9;
	_ =	strace $0x80000048  }
0xb5: {  	_ =	swait.ge [sflag:s29], $0x1  }
0xb6: {  	[sflag:s29] =	ssyncadd.s32 $0xFFFFFFFF  }
0xb7: {  	_ =	strace $0x90000048  }
0xb8: {  	_ =	sfence  }
0xb9: {  	s30 =	sld [smem:$0x0];
	_ =	sdelay $0x2  }
0xba: {  	s31 =	sshll.u32 s1, $0xD;
	s1 =	sshrl.u32 s1, $0x2  }
0xbb: {  	s3 =	sand.u32 $0x4000, s31;
	s1 =	sadd.s32 s1, s30  }
0xbc: {  	s0 =	sor.u32 s3, s0;
	s1 =	sshll.u32 s1, $0x11  }
0xbd: {  	s0 =	sor.u32 s1, s0  }
0xbe: {  	s0 =	sadd.s32 $0x8F2B, s0  }
0xbf: {  	[sflag:s0] =	ssyncadd.remote.s32 $0x1  }
0xc0: {  	_ =	sfence.sel $0xFFFF  }
0xc1: {  	[dreg:$0x0] =	wrdreg $0xFFFFFFFF;
	(pc) =	sbr.abs _section_cstart, $3  }
0xc2: {  	[dreg:$0x1] =	wrdreg $0xFFFFFFFF  }
0xc3: {  	_ =	task.clear_ibuf [dreg:s8], $0x2FFFF;
	_ =	strace $0x9FFFFFFF  }
0xc4: {  	(tm) =	ssettm $0x7FFFFFFF  }
0xc5: {  	_ =	shalt  }
tec
execute0_lowered:
.L_overlay_start_1:
0x0: {  	(tag) =	ssettag $0x1  }
0x1: {  	s0 =	rddreg [dreg:$0x0]  }
0x2: {  	s2 =	rddreg [dreg:$0x1];
	s1 =	srdreg.scid  }
0x3: {  	s3 =	stileid.u32;
	s10 =	rddreg [dreg:$0x2];
	s15 =	simm.s32 $0x280  }
0x4: {  	s16 =	simm.s32 $0xB00;
	s17 =	simm.s32 $0x1380;
	s18 =	simm.s32 $0x1C00  }
0x5: {  	s19 =	simm.s32 $0x2500;
	s20 =	simm.s32 $0xA900;
	s23 =	simm.s32 $0x0  }
0x6: {  	s1 =	sand.u32 $0x1, s1;
	s4 =	sshll.u32 s3, $0x1;
	s3 =	simm.s32 $0x0  }
0x7: {  	s5 =	sadd.s32 $0x1EA00, s0;
	s6 =	sadd.s32 $0x14C00, s0;
	s7 =	sadd.s32 $0xAE00, s0  }
0x8: {  	s9 =	sor.u32 s1, s4;
	[smem:$0x7FF] =	sst s3;
	s13 =	ssub.s32 $0x2, s1  }
0x9: {  	s31 =	sshll.u32 s1, $0x6;
	s4 =	smul.u32 $0x140, s9;
	_ =	strace $0x80000047  }
0xa: {  	s29 =	sshrl.u32 s13, $0x1;
	s14 =	smul.u32 $0x1400, s9;
	s1 =	sor.u32 $0x1, s31  }
0xb: {  	s11 =	smul.u32 $0xA0, s9;
	v3 =	vmov s31;
	s13 =	ssub.s32 s13, s29;
	v2 =	vmov s1;
	s8 =	sshrl.u32 s4, $0x3  }
0xc: {  	s9 =	sand.u32 $0x40, s4;
	s10 =	sadd.s32 s10, s14;
	s8 =	sand.u32 $0x7F0, s8  }
0xd: {  	s13 =	smax.u32 s13, $0x1;
	[dreg:$0x5] =	wrdreg s10;
	s12 =	sadd.s32 s8, s0  }
0xe: {  	s8 =	sadd.s32 $0xE00, s0;
	s0 =	sadd.s32 s11, s0;
	s30 =	sadd.s32 $0x28800, s12  }
0xf: {  	v0 =	vimm.f32 $0.0e+00;
	v1 =	vimm.f32 $-Inf;
	vm0 =	vmmov $0x1;
	s14 =	simm.s32 $0x1;
	s12 =	sadd.s32 $0x28E00, s0;
	[dreg:$0x4] =	wrdreg s30  }
.LBB2_1:
0x10: {  	s0 =	rddreg [dreg:$0x4]  }
0x11: {  	[tilespmem:s3], [sflag:$0x1] =	stream.linear.gather [hbm4b:s0+s3], $0x200, $0x38;
	[tilespmem:$0x1CE80] =	vst v63  }
0x12: {  	_ =	swait.ge [sflag:s14], $0x200  }
0x13: {  	[sflag:s14] =	ssyncset.done $0x0  }
0x14: {  	[sflag:s14] =	ssyncadd.s32 $0xFFFFFE00  }
0x15: {  	s1 =	simm.s32 $0x0;
	v4 =	vld [tilespmem:s9+$0x0]  }
0x16: {  	v5 =	vld [tilespmem:s9+$0x140];
	[tilespmem:s1+$0x15080] =	vst v0  }
0x17: {  	[tilespmem:s1+$0x16480] =	vst v0  }
0x18: {  	[tilespmem:s1+$0x17880] =	vst v0  }
0x19: {  	[tilespmem:s1+$0x18C80] =	vst v1  }
0x1a: {  	[tilespmem:s1+$0x1A080] =	vst v1  }
0x1b: {  	s0 =	simm.s32 $0xABC0;
	[tilespmem:s1+$0x1B480] =	vst v1;
	s1 =	simm.s32 $0x40  }
.LBB2_2:
0x1c: {  	p0 =	sne.s32 s1, $0x4FC0;
	[tilespmem:s0+$0x30] =	vst v1  }
0x1d: {  	[tilespmem:s0+$0xFFFFFFC0] =	vst v1  }
0x1e: {  	[tilespmem:s0+$0xFFFFFFD0] =	vst v1  }
0x1f: {  	[tilespmem:s0+$0x0] =	vst v1  }
0x20: {  	[tilespmem:s0+$0x10] =	vst v1  }
0x21: {  	[tilespmem:s0+$0x20] =	vst v1  }
0x22: {  	[tilespmem:s0+$0xFFFFFFF0] =	vst v1  }
0x23: {  	s10 =	sshra.s32 s1, $0x2;
	[tilespmem:s0+$0xFFFFFFE0] =	vst v1  }
0x24: {  	[tilespmem:s10+$0x15080] =	vst v0  }
.Ltmp0:
0x25: {  	[tilespmem:s10+$0x16480] =	vst v0;
	(pc) =	sbr.rel @p0 .LBB2_2-.Ltmp0, $4  }
0x26: {  	[tilespmem:s10+$0x17880] =	vst v0  }
0x27: {  	[tilespmem:s10+$0x18C80] =	vst v1  }
0x28: {  	[tilespmem:s10+$0x1A080] =	vst v1  }
0x29: {  	s1 =	sadd.s32 $0x40, s1;
	s0 =	sadd.s32 $0x80, s0;
	[tilespmem:s10+$0x1B480] =	vst v1  }
0x2a: {  	(v2sf) =	vpush v4, $0x0  }
0x2b: {  	(v2sf) =	vpush v5, $0x0;
	_ =	sdelay $0x7  }
0x2c: {  	[tilespmem:s0+$0x30] =	vst v1  }
0x2d: {  	[tilespmem:s0+$0xFFFFFFC0] =	vst v1  }
0x2e: {  	[tilespmem:s0+$0xFFFFFFD0] =	vst v1  }
0x2f: {  	[tilespmem:s0+$0x0] =	vst v1  }
0x30: {  	[tilespmem:s0+$0x10] =	vst v1  }
0x31: {  	[tilespmem:s0+$0x20] =	vst v1  }
0x32: {  	[tilespmem:s0+$0xFFFFFFF0] =	vst v1;
	v4 =	vimm.f32 $-Inf;
	v6 =	vimm.f32 $-Inf;
	s26 =	simm.s32 $0x0;
	v7 =	vimm.f32 $-Inf;
	s24 =	spop (v2sf)  }
0x33: {  	[tilespmem:s0+$0xFFFFFFE0] =	vst v1;
	v8 =	vimm.f32 $0.0e+00;
	v9 =	vimm.f32 $0.0e+00;
	s29 =	simm.s32 $0x0;
	v5 =	vimm.f32 $0.0e+00;
	s25 =	spop (v2sf);
	s28 =	smov.u32 s24  }
.LBB2_4:
0x34: {  	s0 =	smul.u32 $0x780, s29;
	_ =	sdelay $0x1  }
0x35: {  	s0 =	sadd.s32 s24, s0  }
0x36: {  	s1 =	sand.u32 $0xFFFFFF80, s0  }
0x37: {  	p0 =	slt.s32 s1, $0x4DA00  }
0x38: {  	s1 =	simm.s32 @!p0 $0x4DA00  }
0x39: {  	s10 =	sshrl.u32 s1, $0x3  }
0x3a: {  	s1 =	sadd.s32 s5, s10  }
0x3b: {  	[tilespmem:s15], [sflag:$0x1] =	stream.linear.gather [hbm4b:s1+s26], $0x800, $0x38;
	[tilespmem:$0x1CE80] =	vst v63  }
0x3c: {  	_ =	swait.ge [sflag:s14], $0x800  }
0x3d: {  	[sflag:s14] =	ssyncset.done $0x0  }
0x3e: {  	s31 =	sadd.s32 s6, s10;
	[sflag:s14] =	ssyncadd.s32 $0xFFFFF800  }
0x3f: {  	[tilespmem:s16], [sflag:$0x1] =	stream.linear.gather [hbm4b:s31+s26], $0x800, $0x38;
	[tilespmem:$0x1CE80] =	vst v63  }
0x40: {  	_ =	swait.ge [sflag:s14], $0x800  }
0x41: {  	[sflag:s14] =	ssyncset.done $0x0  }
0x42: {  	s21 =	sadd.s32 s7, s10;
	s1 =	sand.u32 $0xFFFFFF80, s28;
	[sflag:s14] =	ssyncadd.s32 $0xFFFFF800  }
0x43: {  	[tilespmem:s17], [sflag:$0x1] =	stream.linear.gather [hbm4b:s21+s26], $0x800, $0x38;
	[tilespmem:$0x1CE80] =	vst v63  }
0x44: {  	p0 =	slt.s32 s1, $0x4DA00;
	_ =	swait.ge [sflag:s14], $0x800  }
0x45: {  	s1 =	simm.s32 @!p0 $0x4DA00;
	[sflag:s14] =	ssyncset.done $0x0  }
0x46: {  	s10 =	sadd.s32 s8, s10;
	s1 =	ssub.s32 s28, s1;
	[sflag:s14] =	ssyncadd.s32 $0xFFFFF800  }
0x47: {  	[tilespmem:s18], [sflag:$0x1] =	stream.linear.gather [hbm4b:s10+s26], $0x880, $0x38;
	[tilespmem:$0x1CE80] =	vst v63  }
0x48: {  	s10 =	sadd.s32 $0x0, s1;
	_ =	swait.ge [sflag:s14], $0x880  }
0x49: {  	p0 =	slt.s32 s10, $0x800;
	[sflag:s14] =	ssyncset.done $0x0  }
0x4a: {  	s10 =	simm.s32 @!p0 $0x800;
	[sflag:s14] =	ssyncadd.s32 $0xFFFFF780  }
0x4b: {  	v10 =	vld [tilespmem:s10+$0x1C00]  }
0x4c: {  	v11 =	vld [tilespmem:s10+$0x1C01];
	_ =	sdelay $0x3  }
0x4d: {  	(v2sf) =	vpush v10, $0x0  }
0x4e: {  	(v2sf) =	vpush v11, $0x0;
	_ =	sdelay $0x9  }
0x4f: {  	v13 =	vld [tilespmem:s10+$0xB00]  }
0x50: {  	v10 =	vld [tilespmem:s10+$0x280];
	_ =	sdelay $0x1  }
0x51: {  	v11 =	vld [tilespmem:s10+$0x1380]  }
0x52: {  	s0 =	ssub.s32 s25, s0;
	s10 =	spop (v2sf)  }
0x53: {  	p0 =	sle.s32 s0, $0x0;
	s21 =	spop (v2sf)  }
0x54: {  	v18 =	vnsel vm0, $0x0, v13;
	v13 =	vnsel vm0, $0xFF800000, v13;
	v12 =	vnsel vm0, $0x0, v10;
	p2 =	seq.s32 @!p0 s21, s10  }
0x55: {  	v19 =	vadd.f32 v18, v8;
	v10 =	vnsel vm0, $0xFF800000, v10;
	v14 =	vadd.f32 v12, v9;
	p1 =	por p2, p0  }
0x56: {  	p3 =	sgt.s32 s0, $0x0;
	v12 =	vnsel vm0, $0x0, v11;
	v11 =	vnsel vm0, $0xFF800000, v11;
	v10 =	vmax.f32 v7, v10;
	s10 =	ssub.s32 @!p1 s10, s4  }
0x57: {  	v14 =	vpsel p3, v14, v9;
	v9 =	vmax.f32 v4, v11;
	v11 =	vmax.f32 v6, v13;
	s10 =	sshll.u32 @!p1 s10, $0x4  }
0x58: {  	v13 =	vpsel p3, v10, v7;
	v10 =	vpsel p3, v11, v6;
	v11 =	vpsel p3, v9, v4;
	p4 =	por !p2, p0;
	v15 =	vld @!p1 [tilespmem:s10+$0x15080]  }
0x59: {  	v12 =	vadd.f32 v12, v5;
	v4 =	vpsel p4, $0xFF800000, v11;
	v6 =	vpsel p4, $0xFF800000, v10;
	v16 =	vld @!p1 [tilespmem:s10+$0x16480]  }
0x5a: {  	v7 =	vpsel p4, $0xFF800000, v13;
	v9 =	vpsel p4, $0x0, v14;
	v4 =	vpsel p0, v11, v4;
	v17 =	vld @!p1 [tilespmem:s10+$0x17880]  }
0x5b: {  	s21 =	simm.s32 $0x1;
	v7 =	vpsel p0, v13, v7;
	v6 =	vpsel p0, v10, v6;
	v9 =	vpsel p0, v14, v9;
	v18 =	vld @!p1 [tilespmem:s10+$0x18C80]  }
.LBB2_5:
0x5c: {  	v20 =	vld @!p1 [tilespmem:s10+$0x1A080];
	s22 =	smov.u32 s21;
	s21 =	sadd.s32 $0x1, s21  }
0x5d: {  	p2 =	sne.s32 s21, $0x780;
	v8 =	vpsel p3, v19, v8;
	v14 =	vadd.f32 @!p1 v15, v14;
	v15 =	vld @!p1 [tilespmem:s10+$0x1B480]  }
0x5e: {  	v5 =	vpsel p3, v12, v5;
	v12 =	vadd.f32 @!p1 v16, v8;
	v16 =	vpsel p4, $0x0, v8  }
0x5f: {  	[tilespmem:s10+$0x15080] =	vst @!p1 v14;
	v14 =	vadd.f32 @!p1 v17, v5;
	v17 =	vpsel p4, $0x0, v5;
	v8 =	vpsel p0, v8, v16  }
0x60: {  	s30 =	sadd.s32 s22, s1;
	[tilespmem:s10+$0x16480] =	vst @!p1 v12;
	v12 =	vmax.f32 @!p1 v18, v13;
	v5 =	vpsel p0, v5, v17  }
0x61: {  	p0 =	slt.s32 s30, $0x800;
	[tilespmem:s10+$0x17880] =	vst @!p1 v14;
	v10 =	vmax.f32 @!p1 v20, v10  }
0x62: {  	s30 =	simm.s32 @!p0 $0x800;
	[tilespmem:s10+$0x18C80] =	vst @!p1 v12;
	v11 =	vmax.f32 @!p1 v15, v11  }
0x63: {  	[tilespmem:s10+$0x1B480] =	vst @!p1 v11  }
0x64: {  	[tilespmem:s10+$0x1A080] =	vst @!p1 v10  }
0x65: {  	v10 =	vld [tilespmem:s30+$0x1C00]  }
0x66: {  	v11 =	vld [tilespmem:s30+$0x1C01];
	_ =	sdelay $0x3  }
0x67: {  	(v2sf) =	vpush v10, $0x0  }
0x68: {  	(v2sf) =	vpush v11, $0x0;
	_ =	sdelay $0x5  }
0x69: {  	v10 =	vld [tilespmem:s30+$0x280]  }
0x6a: {  	v11 =	vld [tilespmem:s30+$0x1380]  }
0x6b: {  	v13 =	vld [tilespmem:s30+$0xB00];
	_ =	sdelay $0x2  }
0x6c: {  	v12 =	vnsel vm0, $0x0, v10;
	v10 =	vnsel vm0, $0xFF800000, v10  }
0x6d: {  	v14 =	vadd.f32 v12, v9;
	v12 =	vnsel vm0, $0x0, v11;
	v11 =	vnsel vm0, $0xFF800000, v11  }
0x6e: {  	p3 =	sgt.s32 s0, s22;
	v18 =	vnsel vm0, $0x0, v13;
	v12 =	vadd.f32 v12, v5;
	v13 =	vnsel vm0, $0xFF800000, v13  }
0x6f: {  	v14 =	vpsel p3, v14, v9;
	v9 =	vmax.f32 v4, v11;
	s10 =	spop (v2sf)  }
0x70: {  	p0 =	sle.s32 s0, s22;
	s22 =	spop (v2sf)  }
0x71: {  	v10 =	vmax.f32 v7, v10;
	v11 =	vmax.f32 v6, v13;
	p4 =	seq.s32 @!p0 s22, s10  }
0x72: {  	v13 =	vpsel p3, v10, v7;
	v10 =	vpsel p3, v11, v6;
	v11 =	vpsel p3, v9, v4;
	p1 =	por p4, p0;
	p4 =	por !p4, p0  }
0x73: {  	s10 =	ssub.s32 @!p1 s10, s4;
	v4 =	vpsel p4, $0xFF800000, v11;
	v6 =	vpsel p4, $0xFF800000, v10;
	v7 =	vpsel p4, $0xFF800000, v13  }
.Ltmp1:
0x74: {  	v9 =	vpsel p4, $0x0, v14;
	s10 =	sshll.u32 @!p1 s10, $0x4;
	v4 =	vpsel p0, v11, v4;
	v7 =	vpsel p0, v13, v7;
	(pc) =	sbr.rel @p2 .LBB2_5-.Ltmp1, $4  }
0x75: {  	v6 =	vpsel p0, v10, v6;
	v9 =	vpsel p0, v14, v9;
	v15 =	vld @!p1 [tilespmem:s10+$0x15080]  }
0x76: {  	v16 =	vld @!p1 [tilespmem:s10+$0x16480]  }
0x77: {  	v17 =	vld @!p1 [tilespmem:s10+$0x17880]  }
0x78: {  	v19 =	vadd.f32 v18, v8;
	v18 =	vld @!p1 [tilespmem:s10+$0x18C80]  }
0x79: {  	_ = 	snop  }
0x7a: {  	v8 =	vpsel p3, v19, v8;
	v14 =	vadd.f32 @!p1 v15, v14;
	v15 =	vld @!p1 [tilespmem:s10+$0x1B480]  }
0x7b: {  	v5 =	vpsel p3, v12, v5;
	s29 =	sadd.s32 $0x1, s29;
	v19 =	vld @!p1 [tilespmem:s10+$0x1A080];
	v12 =	vadd.f32 @!p1 v16, v8  }
0x7c: {  	p2 =	sne.s32 s29, $0x8;
	[tilespmem:s10+$0x15080] =	vst @!p1 v14;
	v14 =	vadd.f32 @!p1 v17, v5  }
.Ltmp2:
0x7d: {  	[tilespmem:s10+$0x16480] =	vst @!p1 v12;
	(pc) =	sbr.rel @p2 .LBB2_4-.Ltmp2, $4  }
0x7e: {  	v12 =	vmax.f32 @!p1 v18, v13;
	[tilespmem:s10+$0x17880] =	vst @!p1 v14  }
0x7f: {  	[tilespmem:s10+$0x18C80] =	vst @!p1 v12;
	v11 =	vmax.f32 @!p1 v15, v11  }
0x80: {  	v63 =	vpsel p4, $0x0, v5;
	v62 =	vpsel p4, $0x0, v8;
	v10 =	vmax.f32 @!p1 v19, v10;
	[tilespmem:s10+$0x1B480] =	vst @!p1 v11  }
0x81: {  	s28 =	sadd.s32 $0x780, s28;
	v8 =	vpsel p0, v8, v62;
	v5 =	vpsel p0, v5, v63;
	[tilespmem:s10+$0x1A080] =	vst @!p1 v10  }
0x82: {  	_ =	sdelay $0x2  }
0x83: {  	s0 =	simm.s32 $0x0  }
0x84: {  	v4 =	vld.idx.msk [tilespmem:v2+s0+$0xFFFFFFFF ss:$0x1], $0xffff  }
0x85: {  	v5 =	vld.idx.msk [tilespmem:v2+s0+$0x0 ss:$0x1], $0xffff;
	_ =	sdelay $0x3  }
0x86: {  	(v2sf) =	vpush v4, $0x0  }
0x87: {  	(v2sf) =	vpush v5, $0x0;
	_ =	sdelay $0xd  }
0x88: {  	s1 =	spop (v2sf)  }
0x89: {  	s10 =	spop (v2sf)  }
0x8a: {  	s1 =	ssub.s32 s10, s1  }
0x8b: {  	s1 =	scvt.s32.f32 s1;
	_ =	sdelay $0x1  }
0x8c: {  	v4 =	vmov s1  }
0x8d: {  	v4 =	vmax.f32 v4, $1.000000000e+00  }
0x8e: {  	v4 =	vbroadcast v4, $0x0;
	_ =	sdelay $0x1  }
0x8f: {  	(erf) = vrcp.f32 v4;
	_ =	sdelay $0x3  }
0x90: {  	s1 =	simm.s32 $0x15080  }
0x91: {  	v4 =	vld.msk [tilespmem:s1+$0x0 ss:$0x0], $0xffff;
	_ =	sdelay $0x3  }
0x92: {  	v5 =	vpop (erf)  }
0x93: {  	v4 =	vmul.f32 v5, v4;
	_ =	sdelay $0x1  }
0x94: {  	s21 =	simm.s32 $0x16480;
	[tilespmem:s0+$0x1C880] =	vst v4  }
0x95: {  	v4 =	vld.msk [tilespmem:s21+$0x0 ss:$0x0], $0xffff;
	_ =	sdelay $0x4  }
0x96: {  	v4 =	vmul.f32 v5, v4;
	_ =	sdelay $0x1  }
0x97: {  	s22 =	simm.s32 $0x17880;
	[tilespmem:s0+$0x1CA00] =	vst v4  }
0x98: {  	v4 =	vld.msk [tilespmem:s22+$0x0 ss:$0x0], $0xffff;
	_ =	sdelay $0x4  }
0x99: {  	s10 =	simm.s32 $0x4;
	v4 =	vmul.f32 v5, v4  }
.LBB2_8:
0x9a: {  	s1 =	sadd.s32 $0x10, s1;
	s21 =	sadd.s32 $0x10, s21;
	s22 =	sadd.s32 $0x10, s22  }
0x9b: {  	p0 =	sne.s32 s10, $0x4FC;
	[tilespmem:s0+$0x1CB80] =	vst v4;
	s0 =	sshra.s32 s10, $0x2;
	s10 =	sadd.s32 $0x4, s10  }
0x9c: {  	v4 =	vld.idx.msk [tilespmem:v2+s0+$0xFFFFFFFF ss:$0x1], $0xffff  }
0x9d: {  	v5 =	vld.idx.msk [tilespmem:v2+s0+$0x0 ss:$0x1], $0xffff;
	_ =	sdelay $0x4  }
0x9e: {  	(v2sf) =	vpush v4, $0x0  }
0x9f: {  	(v2sf) =	vpush v5, $0x0;
	_ =	sdelay $0xd  }
0xa0: {  	s26 =	spop (v2sf)  }
0xa1: {  	s28 =	spop (v2sf)  }
0xa2: {  	s26 =	ssub.s32 s28, s26  }
0xa3: {  	s26 =	scvt.s32.f32 s26;
	_ =	sdelay $0x1  }
0xa4: {  	v4 =	vmov s26  }
0xa5: {  	v4 =	vmax.f32 v4, $1.000000000e+00  }
0xa6: {  	v4 =	vbroadcast v4, $0x0;
	_ =	sdelay $0x1  }
0xa7: {  	(erf) = vrcp.f32 v4;
	_ =	sdelay $0x2  }
0xa8: {  	v4 =	vld.msk [tilespmem:s1+$0x0 ss:$0x0], $0xffff;
	_ =	sdelay $0x5  }
0xa9: {  	v5 =	vpop (erf)  }
0xaa: {  	v4 =	vmul.f32 v5, v4;
	_ =	sdelay $0x1  }
0xab: {  	[tilespmem:s0+$0x1C880] =	vst v4  }
0xac: {  	v4 =	vld.msk [tilespmem:s21+$0x0 ss:$0x0], $0xffff;
	_ =	sdelay $0x5  }
0xad: {  	v4 =	vmul.f32 v5, v4;
	_ =	sdelay $0x1  }
0xae: {  	[tilespmem:s0+$0x1CA00] =	vst v4  }
0xaf: {  	v4 =	vld.msk [tilespmem:s22+$0x0 ss:$0x0], $0xffff;
	_ =	sdelay $0x1  }
.Ltmp3:
0xb0: {  	(pc) =	sbr.rel @p0 .LBB2_8-.Ltmp3, $2  }
0xb1: {  	_ =	sdelay $0x2  }
0xb2: {  	v4 =	vmul.f32 v5, v4  }
0xb3: {  	_ = 	snop  }
0xb4: {  	s1 =	simm.s32 $0x0;
	[tilespmem:s0+$0x1CB80] =	vst v4;
	s0 =	simm.s32 $0x40;
	v4 =	vimm.f32 $-Inf  }
.LBB2_10:
0xb5: {  	p0 =	sne.s32 s0, $0x4FC0;
	[tilespmem:s1+$0x15080] =	vst v4;
	s1 =	smov.u32 s0;
	s0 =	sadd.s32 $0x40, s0  }
.Ltmp4:
0xb6: {  	(pc) =	sbr.rel @p0 .LBB2_10-.Ltmp4, $2  }
0xb7: {  	_ =	sdelay $0x2  }
0xb8: {  	s1 =	sshra.s32 s1, $0x2  }
0xb9: {  	[tilespmem:s1+$0x15080] =	vst v4;
	s28 =	simm.s32 $0x0;
	s29 =	smov.u32 s24;
	s30 =	simm.s32 $0x0  }
.LBB2_12:
0xba: {  	s0 =	smul.u32 $0x780, s30;
	_ =	sdelay $0x1  }
0xbb: {  	s1 =	sadd.s32 s24, s0  }
0xbc: {  	s0 =	sand.u32 $0xFFFFFF80, s1  }
0xbd: {  	p0 =	slt.s32 s0, $0x4DA00  }
0xbe: {  	s0 =	simm.s32 @!p0 $0x4DA00  }
0xbf: {  	s10 =	sshrl.u32 s0, $0x3  }
0xc0: {  	s0 =	sadd.s32 s5, s10  }
0xc1: {  	[tilespmem:s15], [sflag:$0x1] =	stream.linear.gather [hbm4b:s0+s28], $0x800, $0x38;
	[tilespmem:$0x1CE80] =	vst v63  }
0xc2: {  	_ =	swait.ge [sflag:s14], $0x800  }
0xc3: {  	[sflag:s14] =	ssyncset.done $0x0  }
0xc4: {  	s31 =	sadd.s32 s6, s10;
	[sflag:s14] =	ssyncadd.s32 $0xFFFFF800  }
0xc5: {  	[tilespmem:s16], [sflag:$0x1] =	stream.linear.gather [hbm4b:s31+s28], $0x800, $0x38;
	[tilespmem:$0x1CE80] =	vst v63  }
0xc6: {  	_ =	swait.ge [sflag:s14], $0x800  }
0xc7: {  	[sflag:s14] =	ssyncset.done $0x0  }
0xc8: {  	s21 =	sadd.s32 s7, s10;
	s0 =	sand.u32 $0xFFFFFF80, s29;
	[sflag:s14] =	ssyncadd.s32 $0xFFFFF800  }
0xc9: {  	[tilespmem:s17], [sflag:$0x1] =	stream.linear.gather [hbm4b:s21+s28], $0x800, $0x38;
	[tilespmem:$0x1CE80] =	vst v63  }
0xca: {  	p0 =	slt.s32 s0, $0x4DA00;
	_ =	swait.ge [sflag:s14], $0x800  }
0xcb: {  	s0 =	simm.s32 @!p0 $0x4DA00;
	[sflag:s14] =	ssyncset.done $0x0  }
0xcc: {  	s10 =	sadd.s32 s8, s10;
	s0 =	ssub.s32 s29, s0;
	[sflag:s14] =	ssyncadd.s32 $0xFFFFF800  }
0xcd: {  	[tilespmem:s18], [sflag:$0x1] =	stream.linear.gather [hbm4b:s10+s28], $0x880, $0x38;
	[tilespmem:$0x1CE80] =	vst v63  }
0xce: {  	s10 =	sadd.s32 $0x0, s0;
	_ =	swait.ge [sflag:s14], $0x880  }
0xcf: {  	p0 =	slt.s32 s10, $0x800;
	[sflag:s14] =	ssyncset.done $0x0  }
0xd0: {  	s10 =	simm.s32 @!p0 $0x800;
	[sflag:s14] =	ssyncadd.s32 $0xFFFFF780  }
0xd1: {  	v5 =	vld [tilespmem:s10+$0x1C00];
	_ =	sdelay $0x4  }
0xd2: {  	(v2sf) =	vpush v5, $0x0;
	_ =	sdelay $0x9  }
0xd3: {  	v5 =	vld [tilespmem:s10+$0x1C01];
	_ =	sdelay $0x4  }
0xd4: {  	s21 =	spop (v2sf);
	(v2sf) =	vpush v5, $0x0  }
0xd5: {  	s22 =	ssub.s32 s21, s4  }
0xd6: {  	p0 =	sgt.s32 s22, $0x0  }
0xd7: {  	v8 =	vld [tilespmem:s10+$0xB00];
	s22 =	simm.s32 @!p0 $0x0  }
0xd8: {  	v5 =	vld [tilespmem:s10+$0x280];
	s22 =	smin.u32 s22, $0x13F  }
0xd9: {  	s26 =	sor.u32 $0x1CA00, s22;
	v6 =	vld.msk [tilespmem:s22+$0x1C880 ss:$0x0], $0xffff  }
0xda: {  	v7 =	vld.msk [tilespmem:s26+$0x0 ss:$0x0], $0xffff  }
0xdb: {  	v10 =	vld [tilespmem:s10+$0x1380]  }
0xdc: {  	v9 =	vld.msk [tilespmem:s22+$0x1CB80 ss:$0x0], $0xffff;
	_ =	sdelay $0x2  }
0xdd: {  	v5 =	vsub.f32 v5, v6;
	v6 =	vsub.f32 v8, v7;
	_ =	sdelay $0x1  }
0xde: {  	v7 =	vsub.f32 v10, v9;
	v5 =	vmul.f32 v5, v5;
	v6 =	vmul.f32 v6, v6  }
0xdf: {  	s1 =	ssub.s32 s25, s1  }
0xe0: {  	p1 =	sle.s32 s1, $0x0;
	v5 =	vadd.f32 v6, v5;
	v6 =	vmul.f32 v7, v7;
	s10 =	spop (v2sf)  }
0xe1: {  	p0 =	seq.s32 @!p1 s10, s21  }
0xe2: {  	v5 =	vadd.f32 v6, v5;
	p2 =	por p0, p1  }
0xe3: {  	s22 =	sshll.u32 @!p2 s22, $0x4  }
0xe4: {  	v6 =	vnsel vm0, $0xFF800000, v5;
	v5 =	vld @!p2 [tilespmem:s22+$0x15080];
	_ =	sdelay $0x2  }
0xe5: {  	p4 =	sgt.s32 s1, $0x0;
	s21 =	simm.s32 $0x1;
	p3 =	por !p0, p1;
	v6 =	vmax.f32 v4, v6  }
.LBB2_13:
0xe6: {  	s26 =	sadd.s32 s21, s0;
	v4 =	vpsel p4, v6, v4;
	s10 =	smov.u32 s21;
	s21 =	sadd.s32 $0x1, s21  }
0xe7: {  	p4 =	slt.s32 s26, $0x800;
	p0 =	sne.s32 s21, $0x780;
	v5 =	vmax.f32 @!p2 v5, v4;
	v6 =	vpsel p3, $0xFF800000, v4  }
0xe8: {  	s26 =	simm.s32 @!p4 $0x800;
	[tilespmem:s22+$0x15080] =	vst @!p2 v5;
	v4 =	vpsel p1, v4, v6  }
0xe9: {  	v5 =	vld [tilespmem:s26+$0x1C00];
	_ =	sdelay $0x4  }
0xea: {  	(v2sf) =	vpush v5, $0x0;
	_ =	sdelay $0x8  }
0xeb: {  	v5 =	vld [tilespmem:s26+$0x1C01];
	_ =	sdelay $0x4  }
0xec: {  	(v2sf) =	vpush v5, $0x0  }
0xed: {  	s22 =	spop (v2sf)  }
0xee: {  	s31 =	ssub.s32 s22, s4  }
0xef: {  	p1 =	sgt.s32 s31, $0x0  }
0xf0: {  	s31 =	simm.s32 @!p1 $0x0  }
0xf1: {  	s31 =	smin.u32 s31, $0x13F;
	v5 =	vld [tilespmem:s26+$0x280]  }
0xf2: {  	s11 =	sor.u32 $0x1CA00, s31;
	v6 =	vld.msk [tilespmem:s31+$0x1C880 ss:$0x0], $0xffff  }
0xf3: {  	v7 =	vld.msk [tilespmem:s11+$0x0 ss:$0x0], $0xffff  }
0xf4: {  	v8 =	vld [tilespmem:s26+$0xB00]  }
0xf5: {  	v9 =	vld.msk [tilespmem:s31+$0x1CB80 ss:$0x0], $0xffff  }
0xf6: {  	v10 =	vld [tilespmem:s26+$0x1380];
	_ =	sdelay $0x2  }
0xf7: {  	v5 =	vsub.f32 v5, v6;
	v6 =	vsub.f32 v8, v7;
	_ =	sdelay $0x1  }
0xf8: {  	p1 =	sle.s32 s1, s10;
	v5 =	vmul.f32 v5, v5;
	v7 =	vsub.f32 v10, v9;
	v6 =	vmul.f32 v6, v6;
	s11 =	spop (v2sf)  }
0xf9: {  	p3 =	seq.s32 @!p1 s11, s22  }
0xfa: {  	v5 =	vadd.f32 v6, v5;
	v6 =	vmul.f32 v7, v7;
	p2 =	por p3, p1;
	p3 =	por !p3, p1  }
.Ltmp5:
0xfb: {  	s22 =	sshll.u32 @!p2 s31, $0x4;
	(pc) =	sbr.rel @p0 .LBB2_13-.Ltmp5, $3  }
0xfc: {  	v6 =	vadd.f32 v6, v5;
	v5 =	vld @!p2 [tilespmem:s22+$0x15080];
	_ =	sdelay $0x1  }
0xfd: {  	v6 =	vnsel vm0, $0xFF800000, v6  }
0xfe: {  	p4 =	sgt.s32 s1, s10;
	v6 =	vmax.f32 v4, v6  }
0xff: {  	s30 =	sadd.s32 $0x1, s30  }
0x100: {  	p0 =	sne.s32 s30, $0x8  }
.Ltmp6:
0x101: {  	_ = 	snop;
	(pc) =	sbr.rel @p0 .LBB2_12-.Ltmp6, $4  }
0x102: {  	_ = 	snop  }
0x103: {  	v4 =	vpsel p4, v6, v4  }
0x104: {  	v5 =	vmax.f32 @!p2 v5, v4;
	v6 =	vpsel p3, $0xFF800000, v4  }
0x105: {  	s29 =	sadd.s32 $0x780, s29;
	s26 =	simm.s32 $0x0;
	[tilespmem:s22+$0x15080] =	vst @!p2 v5;
	v4 =	vpsel p1, v4, v6  }
0x106: {  	_ =	sdelay $0x2  }
0x107: {  	s1 =	sshra.s32 s26, $0x2  }
0x108: {  	v4 =	vld.idx.msk [tilespmem:v2+s1+$0x0 ss:$0x1], $0xffff  }
0x109: {  	v5 =	vld.idx.msk [tilespmem:v2+s1+$0xFFFFFFFF ss:$0x1], $0xffff;
	_ =	sdelay $0x3  }
0x10a: {  	(v2sf) =	vpush v4, $0x0  }
0x10b: {  	(v2sf) =	vpush v5, $0x0;
	_ =	sdelay $0x6  }
0x10c: {  	s0 =	sshra.s32 s26, $0x2  }
0x10d: {  	v4 =	vld [tilespmem:s0+$0x15080];
	_ =	sdelay $0x4  }
0x10e: {  	v4 =	vadd.f32 $9.999999960e-13, v4  }
0x10f: {  	s10 =	spop (v2sf)  }
0x110: {  	v4 =	vbroadcast v4, $0x0;
	s11 =	spop (v2sf)  }
0x111: {  	p0 =	sgt.s32 s10, s11  }
0x112: {  	v5 =	vpsel !p0, $0x3F800000, v4  }
0x113: {  	v6 =	vshra.s32 v5, $0x1;
	v5 =	vmul.f32 $5.000000000e-01, v5  }
0x114: {  	v6 =	vsub.s32 $0x5F3759DF, v6  }
0x115: {  	v7 =	vmul.f32 v6, v5;
	_ =	sdelay $0x1  }
0x116: {  	v7 =	vmul.f32 v6, v7;
	_ =	sdelay $0x1  }
0x117: {  	v7 =	vsub.f32 $1.500000000e+00, v7;
	_ =	sdelay $0x1  }
0x118: {  	v6 =	vmul.f32 v6, v7;
	_ =	sdelay $0x1  }
0x119: {  	v7 =	vmul.f32 v6, v5;
	_ =	sdelay $0x1  }
0x11a: {  	v7 =	vmul.f32 v7, v6;
	_ =	sdelay $0x1  }
0x11b: {  	v7 =	vsub.f32 $1.500000000e+00, v7;
	_ =	sdelay $0x1  }
0x11c: {  	v6 =	vmul.f32 v7, v6;
	_ =	sdelay $0x1  }
0x11d: {  	v5 =	vmul.f32 v6, v5;
	_ =	sdelay $0x1  }
0x11e: {  	v5 =	vmul.f32 v5, v6;
	_ =	sdelay $0x1  }
0x11f: {  	v5 =	vsub.f32 $1.500000000e+00, v5;
	_ =	sdelay $0x1  }
0x120: {  	v5 =	vmul.f32 v5, v6;
	_ =	sdelay $0x1  }
0x121: {  	v4 =	vmul.f32 v5, v4;
	_ =	sdelay $0x1  }
0x122: {  	v4 =	vpsel !p0, $0x0, v4  }
0x123: {  	[tilespmem:s1+$0x1CD00] =	vst v4  }
0x124: {  	v4 =	vld.msk [tilespmem:s0+$0x18C80 ss:$0x0], $0xffff;
	_ =	sdelay $0x4  }
0x125: {  	[tilespmem:s1+$0x18C80] =	vst v4  }
0x126: {  	v4 =	vld.msk [tilespmem:s0+$0x1A080 ss:$0x0], $0xffff;
	_ =	sdelay $0x4  }
0x127: {  	[tilespmem:s1+$0x1A080] =	vst v4  }
0x128: {  	v4 =	vld.msk [tilespmem:s0+$0x1B480 ss:$0x0], $0xffff;
	_ =	sdelay $0x3  }
0x129: {  	s31 =	sadd.s32 $0x4, s26  }
0x12a: {  	s0 =	sshra.s32 s31, $0x2;
	[tilespmem:s1+$0x1B480] =	vst v4  }
0x12b: {  	s21 =	sadd.s32 $0x4, s31;
	s1 =	simm.s32 $0x0;
	v4 =	vld.idx.msk [tilespmem:v2+s0+$0x0 ss:$0x1], $0xffff  }
.LBB2_16:
0x12c: {  	p0 =	sne.s32 s21, $0x4FC;
	v5 =	vld.idx.msk [tilespmem:v2+s0+$0xFFFFFFFF ss:$0x1], $0xffff;
	_ =	sdelay $0x4  }
0x12d: {  	(v2sf) =	vpush v4, $0x0  }
0x12e: {  	(v2sf) =	vpush v5, $0x0;
	_ =	sdelay $0x5  }
0x12f: {  	s1 =	sadd.s32 $0x40, s1  }
0x130: {  	s10 =	sshra.s32 s1, $0x2  }
0x131: {  	v4 =	vld [tilespmem:s10+$0x15080];
	_ =	sdelay $0x4  }
0x132: {  	v4 =	vadd.f32 $9.999999960e-13, v4  }
0x133: {  	s11 =	spop (v2sf)  }
0x134: {  	v4 =	vbroadcast v4, $0x0;
	s22 =	spop (v2sf)  }
0x135: {  	p1 =	sgt.s32 s11, s22  }
0x136: {  	v5 =	vpsel !p1, $0x3F800000, v4  }
0x137: {  	v6 =	vshra.s32 v5, $0x1;
	v5 =	vmul.f32 $5.000000000e-01, v5  }
0x138: {  	v6 =	vsub.s32 $0x5F3759DF, v6  }
0x139: {  	v7 =	vmul.f32 v6, v5;
	_ =	sdelay $0x1  }
0x13a: {  	v7 =	vmul.f32 v6, v7;
	_ =	sdelay $0x1  }
0x13b: {  	v7 =	vsub.f32 $1.500000000e+00, v7;
	_ =	sdelay $0x1  }
0x13c: {  	v6 =	vmul.f32 v6, v7;
	_ =	sdelay $0x1  }
0x13d: {  	v7 =	vmul.f32 v6, v5;
	_ =	sdelay $0x1  }
0x13e: {  	v7 =	vmul.f32 v7, v6;
	_ =	sdelay $0x1  }
0x13f: {  	v7 =	vsub.f32 $1.500000000e+00, v7;
	_ =	sdelay $0x1  }
0x140: {  	v6 =	vmul.f32 v7, v6;
	_ =	sdelay $0x1  }
0x141: {  	v5 =	vmul.f32 v6, v5;
	_ =	sdelay $0x1  }
0x142: {  	v5 =	vmul.f32 v5, v6;
	_ =	sdelay $0x1  }
0x143: {  	v5 =	vsub.f32 $1.500000000e+00, v5;
	_ =	sdelay $0x1  }
0x144: {  	v5 =	vmul.f32 v5, v6;
	_ =	sdelay $0x1  }
0x145: {  	v4 =	vmul.f32 v5, v4;
	_ =	sdelay $0x1  }
0x146: {  	v4 =	vpsel !p1, $0x0, v4  }
0x147: {  	[tilespmem:s0+$0x1CD00] =	vst v4  }
0x148: {  	v4 =	vld.msk [tilespmem:s10+$0x18C80 ss:$0x0], $0xffff;
	_ =	sdelay $0x5  }
0x149: {  	[tilespmem:s0+$0x18C80] =	vst v4  }
0x14a: {  	v4 =	vld.msk [tilespmem:s10+$0x1A080 ss:$0x0], $0xffff;
	_ =	sdelay $0x5  }
0x14b: {  	[tilespmem:s0+$0x1A080] =	vst v4  }
0x14c: {  	v4 =	vld.msk [tilespmem:s10+$0x1B480 ss:$0x0], $0xffff;
	_ =	sdelay $0x2  }
.Ltmp7:
0x14d: {  	(pc) =	sbr.rel @p0 .LBB2_16-.Ltmp7, $3  }
0x14e: {  	_ =	sdelay $0x1  }
0x14f: {  	[tilespmem:s0+$0x1B480] =	vst v4;
	s0 =	sshra.s32 s21, $0x2  }
0x150: {  	s21 =	sadd.s32 $0x4, s21;
	v4 =	vld.idx.msk [tilespmem:v2+s0+$0x0 ss:$0x1], $0xffff  }
0x151: {  	_ =	sdelay $0x3  }
0x152: {  	v5 =	vld.idx.msk [tilespmem:v2+s0+$0xFFFFFFFF ss:$0x1], $0xffff;
	_ =	sdelay $0x3  }
0x153: {  	(v2sf) =	vpush v4, $0x0  }
0x154: {  	(v2sf) =	vpush v5, $0x0;
	_ =	sdelay $0x5  }
0x155: {  	s1 =	sadd.s32 $0x40, s1  }
0x156: {  	s1 =	sshra.s32 s1, $0x2  }
0x157: {  	v4 =	vld [tilespmem:s1+$0x15080];
	_ =	sdelay $0x4  }
0x158: {  	v4 =	vadd.f32 $9.999999960e-13, v4  }
0x159: {  	s10 =	spop (v2sf)  }
0x15a: {  	v4 =	vbroadcast v4, $0x0;
	s11 =	spop (v2sf)  }
0x15b: {  	p0 =	sgt.s32 s10, s11  }
0x15c: {  	v5 =	vpsel !p0, $0x3F800000, v4  }
0x15d: {  	v6 =	vshra.s32 v5, $0x1;
	v5 =	vmul.f32 $5.000000000e-01, v5  }
0x15e: {  	v6 =	vsub.s32 $0x5F3759DF, v6  }
0x15f: {  	v7 =	vmul.f32 v6, v5;
	_ =	sdelay $0x1  }
0x160: {  	v7 =	vmul.f32 v6, v7;
	_ =	sdelay $0x1  }
0x161: {  	v7 =	vsub.f32 $1.500000000e+00, v7;
	_ =	sdelay $0x1  }
0x162: {  	v6 =	vmul.f32 v6, v7;
	_ =	sdelay $0x1  }
0x163: {  	v7 =	vmul.f32 v6, v5;
	_ =	sdelay $0x1  }
0x164: {  	v7 =	vmul.f32 v7, v6;
	_ =	sdelay $0x1  }
0x165: {  	v7 =	vsub.f32 $1.500000000e+00, v7;
	_ =	sdelay $0x1  }
0x166: {  	v6 =	vmul.f32 v7, v6;
	_ =	sdelay $0x1  }
0x167: {  	v5 =	vmul.f32 v6, v5;
	_ =	sdelay $0x1  }
0x168: {  	v5 =	vmul.f32 v5, v6;
	_ =	sdelay $0x1  }
0x169: {  	v5 =	vsub.f32 $1.500000000e+00, v5;
	_ =	sdelay $0x1  }
0x16a: {  	v5 =	vmul.f32 v5, v6;
	_ =	sdelay $0x1  }
0x16b: {  	v4 =	vmul.f32 v5, v4;
	_ =	sdelay $0x1  }
0x16c: {  	v4 =	vpsel !p0, $0x0, v4  }
0x16d: {  	[tilespmem:s0+$0x1CD00] =	vst v4  }
0x16e: {  	v4 =	vld.msk [tilespmem:s1+$0x18C80 ss:$0x0], $0xffff;
	_ =	sdelay $0x4  }
0x16f: {  	[tilespmem:s0+$0x18C80] =	vst v4  }
0x170: {  	v4 =	vld.msk [tilespmem:s1+$0x1A080 ss:$0x0], $0xffff;
	_ =	sdelay $0x4  }
0x171: {  	[tilespmem:s0+$0x1A080] =	vst v4  }
0x172: {  	v4 =	vld.msk [tilespmem:s1+$0x1B480 ss:$0x0], $0xffff;
	_ =	sdelay $0x4  }
0x173: {  	s30 =	simm.s32 $0x0;
	[tilespmem:s0+$0x1B480] =	vst v4  }
0x174: {  	v4 =	vld [tilespmem:s30+$0x1CD00];
	_ =	sdelay $0x4  }
0x175: {  	v5 =	vadd.f32 v4, v4;
	_ =	sdelay $0x1  }
0x176: {  	v6 =	vadd.f32 $9.999999930e-09, v5;
	_ =	sdelay $0x1  }
0x177: {  	v7 =	vld [tilespmem:s30+$0x1B480];
	(erf) = vrcp.f32 v6  }
0x178: {  	v8 =	vld [tilespmem:s30+$0x1C880]  }
0x179: {  	v9 =	vld [tilespmem:s30+$0x1A080]  }
0x17a: {  	v6 =	vld [tilespmem:s30+$0x18C80]  }
0x17b: {  	v10 =	vld [tilespmem:s30+$0x1CA00]  }
0x17c: {  	v11 =	vld [tilespmem:s30+$0x1CB80];
	_ =	sdelay $0x2  }
0x17d: {  	v6 =	vsub.f32 v6, v8  }
0x17e: {  	v62 =	vsub.f32 v9, v10;
	v63 =	vpop (erf)  }
0x17f: {  	v7 =	vsub.f32 v7, v11;
	v6 =	vmul.f32 v63, v6  }
0x180: {  	vm1 =	vgt.f32 v4, $0.0e+00;
	v4 =	vmul.f32 v62, v63  }
0x181: {  	v7 =	vmul.f32 v7, v63;
	v6 =	vnsel vm1, $0x0, v6  }
0x182: {  	v4 =	vnsel vm1, $0x0, v4;
	[tilespmem:s30+$0x14B80] =	vst v6  }
0x183: {  	s31 =	sand.u32 $0x1F0, s26;
	[tilespmem:s30+$0x14CC0] =	vst v4;
	v4 =	vnsel vm1, $0x0, v7  }
0x184: {  	s0 =	simm.s32 $0x10;
	[tilespmem:s31+$0x14E00] =	vst v4  }
0x185: {  	v4 =	vld [tilespmem:s0+$0x1CD00]  }
0x186: {  	s1 =	simm.s32 $0x80;
	[tilespmem:s30+$0x14F40] =	vst v5  }
.LBB2_18:
0x187: {  	p0 =	sne.s32 s1, $0x4C0;
	_ =	sdelay $0x2  }
0x188: {  	v5 =	vadd.f32 v4, v4;
	_ =	sdelay $0x1  }
0x189: {  	v6 =	vadd.f32 $9.999999930e-09, v5;
	_ =	sdelay $0x1  }
0x18a: {  	v7 =	vld [tilespmem:s0+$0x1B480];
	(erf) = vrcp.f32 v6  }
0x18b: {  	v6 =	vld [tilespmem:s0+$0x18C80]  }
0x18c: {  	v8 =	vld [tilespmem:s0+$0x1C880]  }
0x18d: {  	v9 =	vld [tilespmem:s0+$0x1A080]  }
0x18e: {  	v10 =	vld [tilespmem:s0+$0x1CA00]  }
0x18f: {  	v11 =	vld [tilespmem:s0+$0x1CB80];
	_ =	sdelay $0x2  }
0x190: {  	v6 =	vsub.f32 v6, v8  }
0x191: {  	v8 =	vsub.f32 v9, v10;
	v9 =	vpop (erf)  }
0x192: {  	v6 =	vmul.f32 v9, v6;
	v7 =	vsub.f32 v7, v11  }
0x193: {  	vm1 =	vgt.f32 v4, $0.0e+00;
	v4 =	vmul.f32 v8, v9  }
0x194: {  	v6 =	vnsel vm1, $0x0, v6;
	v7 =	vmul.f32 v7, v9  }
.Ltmp8:
0x195: {  	s26 =	sadd.s32 $0x10, s26;
	[tilespmem:s0+$0x14B80] =	vst v6;
	v4 =	vnsel vm1, $0x0, v4;
	(pc) =	sbr.rel @p0 .LBB2_18-.Ltmp8, $4  }
0x196: {  	s10 =	sand.u32 $0x1F0, s26;
	[tilespmem:s0+$0x14CC0] =	vst v4;
	v4 =	vnsel vm1, $0x0, v7  }
0x197: {  	s11 =	sshra.s32 s1, $0x2;
	[tilespmem:s10+$0x14E00] =	vst v4  }
0x198: {  	v4 =	vld [tilespmem:s11+$0x1CD00];
	[tilespmem:s0+$0x14F40] =	vst v5;
	s0 =	smov.u32 s11  }
0x199: {  	s1 =	sadd.s32 $0x40, s1  }
0x19a: {  	_ =	sdelay $0x2  }
0x19b: {  	v8 =	vadd.f32 v4, v4;
	_ =	sdelay $0x1  }
0x19c: {  	v5 =	vadd.f32 $9.999999930e-09, v8;
	_ =	sdelay $0x1  }
0x19d: {  	v6 =	vld [tilespmem:s0+$0x1B480];
	(erf) = vrcp.f32 v5  }
0x19e: {  	v7 =	vld [tilespmem:s0+$0x1C880]  }
0x19f: {  	v9 =	vld [tilespmem:s0+$0x1A080]  }
0x1a0: {  	v5 =	vld [tilespmem:s0+$0x18C80]  }
0x1a1: {  	v10 =	vld [tilespmem:s0+$0x1CA00]  }
0x1a2: {  	v11 =	vld [tilespmem:s0+$0x1CB80];
	_ =	sdelay $0x2  }
0x1a3: {  	v5 =	vsub.f32 v5, v7  }
0x1a4: {  	v7 =	vsub.f32 v9, v10;
	v9 =	vpop (erf)  }
0x1a5: {  	v6 =	vsub.f32 v6, v11;
	v5 =	vmul.f32 v9, v5  }
0x1a6: {  	vm1 =	vgt.f32 v4, $0.0e+00;
	v4 =	vmul.f32 v7, v9  }
0x1a7: {  	v6 =	vmul.f32 v6, v9;
	v5 =	vnsel vm1, $0x0, v5  }
0x1a8: {  	s1 =	sadd.s32 $0x10, s26;
	v4 =	vnsel vm1, $0x0, v4;
	[tilespmem:s0+$0x14B80] =	vst v5  }
0x1a9: {  	s10 =	sshll.u32 s24, $0x2;
	s1 =	sand.u32 $0x1F0, s1;
	v11 =	vimm.f32 $-Inf;
	v10 =	vimm.f32 $-Inf;
	[tilespmem:s0+$0x14CC0] =	vst v4;
	v4 =	vnsel vm1, $0x0, v6  }
0x1aa: {  	s28 =	simm.s32 $0x0;
	s31 =	sshra.s32 s10, $0x2;
	v7 =	vimm.f32 $-Inf;
	v9 =	vimm.f32 $-Inf;
	v6 =	vimm.f32 $-Inf;
	[tilespmem:s1+$0x14E00] =	vst v4  }
0x1ab: {  	s29 =	smov.u32 s24;
	s30 =	simm.s32 $0x0;
	s26 =	sadd.s32 $0xA900, s31;
	v5 =	vimm.f32 $-Inf;
	v4 =	vimm.f32 $-Inf;
	[tilespmem:s0+$0x14F40] =	vst v8;
	v8 =	vimm.f32 $-Inf  }
.LBB2_20:
0x1ac: {  	s0 =	sshll.u32 s30, $0x8  }
0x1ad: {  	s0 =	sadd.s32 s24, s0  }
0x1ae: {  	s1 =	sand.u32 $0xFFFFFFF8, s0  }
0x1af: {  	p0 =	slt.s32 s1, $0x4E0F8  }
0x1b0: {  	s1 =	simm.s32 @!p0 $0x4E0F8  }
0x1b1: {  	s10 =	sand.u32 $0xFFFFFF80, s0;
	s1 =	sshll.u32 s1, $0x4  }
0x1b2: {  	s11 =	sand.u32 $0xFFFFFF80, s29;
	p0 =	slt.s32 s10, $0x4F000;
	s1 =	sadd.s32 s2, s1  }
0x1b3: {  	[tilespmem:s19], [sflag:$0x1] =	stream.linear.gather [hbm4b:s1+s28], $0x8400, $0x38;
	[tilespmem:$0x1CE80] =	vst v63  }
0x1b4: {  	p1 =	slt.s32 s11, $0x4F000;
	s10 =	simm.s32 @!p0 $0x4F000;
	_ =	swait.ge [sflag:s14], $0x8400  }
0x1b5: {  	s11 =	simm.s32 @!p1 $0x4F000;
	s10 =	sshrl.u32 s10, $0x3;
	[sflag:s14] =	ssyncset.done $0x0  }
0x1b6: {  	s21 =	sshll.u32 s11, $0x2;
	s1 =	sadd.s32 s8, s10;
	[sflag:s14] =	ssyncadd.s32 $0xFFFF7C00  }
0x1b7: {  	[tilespmem:s20], [sflag:$0x1] =	stream.linear.gather [hbm4b:s1+s28], $0x200, $0x38;
	[tilespmem:$0x1CE80] =	vst v63  }
0x1b8: {  	s22 =	ssub.s32 $0x0, s21;
	_ =	swait.ge [sflag:s14], $0x200  }
0x1b9: {  	s1 =	sshra.s32 s22, $0x2;
	[sflag:s14] =	ssyncset.done $0x0  }
0x1ba: {  	s31 =	sadd.s32 s1, s26;
	[sflag:s14] =	ssyncadd.s32 $0xFFFFFE00  }
0x1bb: {  	v12 =	vld [tilespmem:s31+$0x0]  }
0x1bc: {  	v13 =	vld [tilespmem:s31+$0x1];
	_ =	sdelay $0x3  }
0x1bd: {  	(v2sf) =	vpush v12, $0x0  }
0x1be: {  	(v2sf) =	vpush v13, $0x0;
	_ =	sdelay $0x3  }
0x1bf: {  	s1 =	sand.u32 $0xFFFFFFF8, s29  }
0x1c0: {  	p0 =	slt.s32 s1, $0x4E0F8  }
0x1c1: {  	s1 =	simm.s32 @!p0 $0x4E0F8  }
0x1c2: {  	s1 =	ssub.s32 s29, s1  }
0x1c3: {  	s10 =	sadd.s32 $0x0, s1  }
0x1c4: {  	p0 =	slt.s32 s10, $0x107  }
0x1c5: {  	s10 =	simm.s32 @!p0 $0x107  }
0x1c6: {  	s10 =	sshll.u32 s10, $0x9  }
0x1c7: {  	s10 =	sshra.s32 s10, $0x2  }
0x1c8: {  	v14 =	vld [tilespmem:s10+$0x2520]  }
0x1c9: {  	s0 =	ssub.s32 s25, s0;
	v12 =	vld [tilespmem:s10+$0x2550];
	s11 =	spop (v2sf)  }
0x1ca: {  	p0 =	sle.s32 s0, $0x0;
	v13 =	vld [tilespmem:s10+$0x2510];
	s21 =	spop (v2sf)  }
0x1cb: {  	v16 =	vld [tilespmem:s10+$0x2560];
	p3 =	seq.s32 @!p0 s21, s11  }
0x1cc: {  	v17 =	vld [tilespmem:s10+$0x2500];
	p1 =	por p3, p0  }
0x1cd: {  	v19 =	vld [tilespmem:s10+$0x2570];
	s11 =	ssub.s32 @!p1 s11, s4  }
0x1ce: {  	v21 =	vld [tilespmem:s10+$0x2530];
	s11 =	sshll.u32 @!p1 s11, $0x9  }
0x1cf: {  	v15 =	vld [tilespmem:s10+$0x2540];
	s22 =	sshra.s32 @!p1 s11, $0x2  }
0x1d0: {  	p4 =	sgt.s32 s0, $0x0;
	v18 =	vmax.f32 v9, v12;
	v20 =	vld @!p1 [tilespmem:s22+$0xAB80]  }
0x1d1: {  	v12 =	vmax.f32 v8, v13;
	v17 =	vmax.f32 v11, v17;
	v9 =	vpsel p4, v18, v9;
	v18 =	vld @!p1 [tilespmem:s22+$0xAB90]  }
0x1d2: {  	v13 =	vmax.f32 v6, v16;
	v22 =	vmax.f32 v10, v14;
	v14 =	vmax.f32 v7, v19;
	v16 =	vld @!p1 [tilespmem:s22+$0xABA0]  }
0x1d3: {  	v19 =	vmax.f32 v4, v21;
	v11 =	vpsel p4, v17, v11;
	v10 =	vpsel p4, v22, v10;
	s21 =	simm.s32 $0x1;
	v17 =	vld @!p1 [tilespmem:s22+$0xABB0]  }
.LBB2_21:
0x1d4: {  	v21 =	vld @!p1 [tilespmem:s22+$0xABC0];
	s31 =	sadd.s32 $0x1, s31;
	s10 =	smov.u32 s21;
	s21 =	sadd.s32 $0x1, s21  }
0x1d5: {  	v8 =	vpsel p4, v12, v8;
	v6 =	vpsel p4, v13, v6;
	p2 =	sne.s32 s21, $0x100;
	v12 =	vmax.f32 @!p1 v20, v11;
	v13 =	vld @!p1 [tilespmem:s22+$0xABD0]  }
0x1d6: {  	v15 =	vmax.f32 v5, v15;
	v7 =	vpsel p4, v14, v7;
	[tilespmem:s22+$0xAB80] =	vst @!p1 v12;
	v12 =	vmax.f32 @!p1 v18, v8;
	v14 =	vld @!p1 [tilespmem:s22+$0xABE0]  }
0x1d7: {  	v4 =	vpsel p4, v19, v4;
	p3 =	por !p3, p0;
	v5 =	vpsel p4, v15, v5;
	[tilespmem:s22+$0xAB90] =	vst @!p1 v12;
	v12 =	vmax.f32 @!p1 v16, v10;
	v15 =	vld @!p1 [tilespmem:s22+$0xABF0]  }
0x1d8: {  	v16 =	vpsel p3, $0xFF800000, v4;
	[tilespmem:s22+$0xABA0] =	vst @!p1 v12;
	v12 =	vmax.f32 @!p1 v17, v4;
	v17 =	vpsel p3, $0xFF800000, v11  }
0x1d9: {  	v4 =	vpsel p0, v4, v16;
	[tilespmem:s22+$0xABB0] =	vst @!p1 v12;
	v12 =	vmax.f32 @!p1 v21, v5;
	v11 =	vpsel p0, v11, v17  }
0x1da: {  	v16 =	vpsel p3, $0xFF800000, v10;
	[tilespmem:s22+$0xABC0] =	vst @!p1 v12;
	v12 =	vmax.f32 @!p1 v13, v9;
	v13 =	vpsel p3, $0xFF800000, v6  }
0x1db: {  	v17 =	vpsel p3, $0xFF800000, v8;
	[tilespmem:s22+$0xABD0] =	vst @!p1 v12;
	v12 =	vmax.f32 @!p1 v14, v6;
	v14 =	vpsel p3, $0xFF800000, v5  }
0x1dc: {  	v8 =	vpsel p0, v8, v17;
	[tilespmem:s22+$0xABE0] =	vst @!p1 v12;
	v12 =	vmax.f32 @!p1 v15, v7;
	v15 =	vpsel p3, $0xFF800000, v7  }
0x1dd: {  	v6 =	vpsel p0, v6, v13;
	v5 =	vpsel p0, v5, v14;
	[tilespmem:s22+$0xABF0] =	vst @!p1 v12;
	v12 =	vpsel p3, $0xFF800000, v9  }
0x1de: {  	v10 =	vpsel p0, v10, v16;
	v7 =	vpsel p0, v7, v15;
	v13 =	vld [tilespmem:s31+$0x0];
	v9 =	vpsel p0, v9, v12  }
0x1df: {  	v12 =	vld [tilespmem:s31+$0x1];
	_ =	sdelay $0x3  }
0x1e0: {  	(v2sf) =	vpush v13, $0x0  }
0x1e1: {  	(v2sf) =	vpush v12, $0x0;
	_ =	sdelay $0x1  }
0x1e2: {  	s11 =	sadd.s32 s10, s1  }
0x1e3: {  	p0 =	slt.s32 s11, $0x107  }
0x1e4: {  	s11 =	simm.s32 @!p0 $0x107  }
0x1e5: {  	s11 =	sshll.u32 s11, $0x9  }
0x1e6: {  	s11 =	sshra.s32 s11, $0x2  }
0x1e7: {  	v15 =	vld [tilespmem:s11+$0x2520]  }
0x1e8: {  	v13 =	vld [tilespmem:s11+$0x2550]  }
0x1e9: {  	v12 =	vld [tilespmem:s11+$0x2510]  }
0x1ea: {  	v14 =	vld [tilespmem:s11+$0x2560]  }
0x1eb: {  	v16 =	vld [tilespmem:s11+$0x2570]  }
0x1ec: {  	v17 =	vld [tilespmem:s11+$0x2500];
	_ =	sdelay $0x1  }
0x1ed: {  	v12 =	vmax.f32 v8, v12;
	s22 =	spop (v2sf)  }
0x1ee: {  	p4 =	sgt.s32 s0, s10;
	p0 =	sle.s32 s0, s10;
	v18 =	vmax.f32 v9, v13;
	v13 =	vmax.f32 v6, v14;
	s10 =	spop (v2sf)  }
0x1ef: {  	v9 =	vpsel p4, v18, v9;
	v14 =	vmax.f32 v7, v16;
	p3 =	seq.s32 @!p0 s10, s22  }
0x1f0: {  	v15 =	vmax.f32 v10, v15;
	v16 =	vmax.f32 v11, v17;
	p1 =	por p3, p0  }
0x1f1: {  	v10 =	vpsel p4, v15, v10;
	v11 =	vpsel p4, v16, v11;
	s10 =	ssub.s32 @!p1 s22, s4  }
0x1f2: {  	v17 =	vld [tilespmem:s11+$0x2530];
	s10 =	sshll.u32 @!p1 s10, $0x9  }
.Ltmp9:
0x1f3: {  	v15 =	vld [tilespmem:s11+$0x2540];
	s22 =	sshra.s32 @!p1 s10, $0x2;
	(pc) =	sbr.rel @p2 .LBB2_21-.Ltmp9, $4  }
0x1f4: {  	v20 =	vld @!p1 [tilespmem:s22+$0xAB80]  }
0x1f5: {  	v18 =	vld @!p1 [tilespmem:s22+$0xAB90]  }
0x1f6: {  	v16 =	vld @!p1 [tilespmem:s22+$0xABA0]  }
0x1f7: {  	v19 =	vmax.f32 v4, v17;
	v17 =	vld @!p1 [tilespmem:s22+$0xABB0]  }
0x1f8: {  	v8 =	vpsel p4, v12, v8;
	v6 =	vpsel p4, v13, v6;
	v55 =	vmax.f32 v5, v15  }
0x1f9: {  	v21 =	vld @!p1 [tilespmem:s22+$0xABC0];
	v7 =	vpsel p4, v14, v7;
	v4 =	vpsel p4, v19, v4;
	p2 =	por !p3, p0;
	v20 =	vmax.f32 @!p1 v20, v11  }
0x1fa: {  	v22 =	vld @!p1 [tilespmem:s22+$0xABD0];
	v5 =	vpsel p4, v55, v5;
	v56 =	vpsel p2, $0xFF800000, v4;
	v57 =	vpsel p2, $0xFF800000, v11  }
0x1fb: {  	v13 =	vld @!p1 [tilespmem:s22+$0xABF0];
	v58 =	vpsel p2, $0xFF800000, v6;
	v59 =	vpsel p2, $0xFF800000, v10;
	[tilespmem:s22+$0xAB80] =	vst @!p1 v20;
	v12 =	vmax.f32 @!p1 v18, v8  }
0x1fc: {  	s30 =	sadd.s32 $0x1, s30;
	v61 =	vpsel p2, $0xFF800000, v8;
	v62 =	vpsel p2, $0xFF800000, v7;
	v18 =	vld @!p1 [tilespmem:s22+$0xABE0];
	[tilespmem:s22+$0xAB90] =	vst @!p1 v12;
	v12 =	vmax.f32 @!p1 v16, v10  }
0x1fd: {  	v63 =	vpsel p2, $0xFF800000, v9;
	v60 =	vpsel p2, $0xFF800000, v5;
	p2 =	sne.s32 s30, $0x38;
	v14 =	vmax.f32 @!p1 v17, v4;
	[tilespmem:s22+$0xABA0] =	vst @!p1 v12  }
.Ltmp10:
0x1fe: {  	v12 =	vmax.f32 @!p1 v21, v5;
	[tilespmem:s22+$0xABB0] =	vst @!p1 v14;
	(pc) =	sbr.rel @p2 .LBB2_20-.Ltmp10, $4  }
0x1ff: {  	v11 =	vpsel p0, v11, v57;
	v14 =	vmax.f32 @!p1 v22, v9;
	[tilespmem:s22+$0xABC0] =	vst @!p1 v12  }
0x200: {  	v8 =	vpsel p0, v8, v61;
	v10 =	vpsel p0, v10, v59;
	v13 =	vmax.f32 @!p1 v13, v7;
	[tilespmem:s22+$0xABD0] =	vst @!p1 v14  }
0x201: {  	v4 =	vpsel p0, v4, v56;
	v5 =	vpsel p0, v5, v60;
	[tilespmem:s22+$0xABF0] =	vst @!p1 v13;
	v12 =	vmax.f32 @!p1 v18, v6  }
0x202: {  	s29 =	sadd.s32 $0x100, s29;
	s26 =	sadd.s32 $0x100, s26;
	v7 =	vpsel p0, v7, v62;
	v9 =	vpsel p0, v9, v63;
	v6 =	vpsel p0, v6, v58;
	[tilespmem:s22+$0xABE0] =	vst @!p1 v12  }
0x203: {  	_ =	sdelay $0x2  }
0x204: {  	s0 =	simm.s32 $0x1  }
0x205: {  	v4 =	vld.idx.msk [tilespmem:v3+s0+$0xFFFFFFFF ss:$0x1], $0xffff  }
0x206: {  	v5 =	vld.idx.msk [tilespmem:v3+s0+$0x0 ss:$0x1], $0xffff;
	_ =	sdelay $0x3  }
0x207: {  	(v2sf) =	vpush v4, $0x0  }
0x208: {  	(v2sf) =	vpush v5, $0x0;
	_ =	sdelay $0xa  }
0x209: {  	s0 =	simm.s32 $0xABC0  }
0x20a: {  	v4 =	vld [tilespmem:s0+$0xFFFFFFC0]  }
0x20b: {  	v5 =	vld [tilespmem:s0+$0xFFFFFFD0]  }
0x20c: {  	v6 =	vld [tilespmem:s0+$0xFFFFFFE0];
	s1 =	spop (v2sf)  }
0x20d: {  	v7 =	vld [tilespmem:s0+$0xFFFFFFF0];
	s10 =	spop (v2sf)  }
0x20e: {  	v8 =	vld [tilespmem:s0+$0x0];
	p0 =	sgt.s32 s10, s1  }
0x20f: {  	v9 =	vld [tilespmem:s0+$0x10];
	v4 =	vpsel !p0, $0x0, v4  }
0x210: {  	v10 =	vld [tilespmem:s0+$0x20];
	v5 =	vpsel !p0, $0x0, v5;
	[tilespmem:s0+$0xFFFFFFC0] =	vst v4  }
0x211: {  	v6 =	vpsel !p0, $0x0, v6;
	v4 =	vld [tilespmem:s0+$0x30];
	[tilespmem:s0+$0xFFFFFFD0] =	vst v5  }
0x212: {  	v5 =	vpsel !p0, $0x0, v7;
	[tilespmem:s0+$0xFFFFFFE0] =	vst v6  }
0x213: {  	v6 =	vpsel !p0, $0x0, v8;
	[tilespmem:s0+$0xFFFFFFF0] =	vst v5  }
0x214: {  	v5 =	vpsel !p0, $0x0, v9;
	[tilespmem:s0+$0x0] =	vst v6  }
0x215: {  	v6 =	vpsel !p0, $0x0, v10;
	[tilespmem:s0+$0x10] =	vst v5  }
0x216: {  	[tilespmem:s0+$0x20] =	vst v6;
	v4 =	vpsel !p0, $0x0, v4  }
0x217: {  	s10 =	simm.s32 $0x2;
	[tilespmem:s0+$0x30] =	vst v4  }
0x218: {  	s1 =	simm.s32 $0xC;
	v4 =	vld.idx.msk [tilespmem:v3+s10+$0xFFFFFFFF ss:$0x1], $0xffff  }
.LBB2_24:
0x219: {  	p0 =	sne.s32 s1, $0x500;
	v5 =	vld.idx.msk [tilespmem:v3+s10+$0x0 ss:$0x1], $0xffff;
	_ =	sdelay $0x4  }
0x21a: {  	(v2sf) =	vpush v4, $0x0  }
0x21b: {  	(v2sf) =	vpush v5, $0x0;
	_ =	sdelay $0x5  }
0x21c: {  	s0 =	sadd.s32 $0x80, s0  }
0x21d: {  	v4 =	vld [tilespmem:s0+$0xFFFFFFF0]  }
0x21e: {  	v5 =	vld [tilespmem:s0+$0x30]  }
0x21f: {  	v6 =	vld [tilespmem:s0+$0x10]  }
0x220: {  	v7 =	vld [tilespmem:s0+$0xFFFFFFE0]  }
0x221: {  	v8 =	vld [tilespmem:s0+$0xFFFFFFD0]  }
0x222: {  	v9 =	vld [tilespmem:s0+$0xFFFFFFC0]  }
0x223: {  	v10 =	vld [tilespmem:s0+$0x0]  }
0x224: {  	v11 =	vld [tilespmem:s0+$0x20];
	s10 =	spop (v2sf)  }
0x225: {  	s11 =	spop (v2sf)  }
0x226: {  	p1 =	sgt.s32 s11, s10  }
0x227: {  	v9 =	vpsel !p1, $0x0, v9;
	v8 =	vpsel !p1, $0x0, v8;
	v7 =	vpsel !p1, $0x0, v7  }
0x228: {  	v4 =	vpsel !p1, $0x0, v4;
	v6 =	vpsel !p1, $0x0, v6;
	[tilespmem:s0+$0xFFFFFFC0] =	vst v9;
	v9 =	vpsel !p1, $0x0, v10  }
0x229: {  	v5 =	vpsel !p1, $0x0, v5;
	[tilespmem:s0+$0xFFFFFFD0] =	vst v8;
	v8 =	vpsel !p1, $0x0, v11  }
0x22a: {  	[tilespmem:s0+$0xFFFFFFE0] =	vst v7  }
0x22b: {  	[tilespmem:s0+$0xFFFFFFF0] =	vst v4  }
.Ltmp11:
0x22c: {  	[tilespmem:s0+$0x0] =	vst v9;
	(pc) =	sbr.rel @p0 .LBB2_24-.Ltmp11, $4  }
0x22d: {  	[tilespmem:s0+$0x10] =	vst v6  }
0x22e: {  	[tilespmem:s0+$0x20] =	vst v8  }
0x22f: {  	s10 =	sshra.s32 s1, $0x2;
	[tilespmem:s0+$0x30] =	vst v5  }
0x230: {  	s1 =	sadd.s32 $0x4, s1;
	v4 =	vld.idx.msk [tilespmem:v3+s10+$0xFFFFFFFF ss:$0x1], $0xffff  }
0x231: {  	_ =	sdelay $0x3  }
0x232: {  	v5 =	vld.idx.msk [tilespmem:v3+s10+$0x0 ss:$0x1], $0xffff;
	_ =	sdelay $0x3  }
0x233: {  	(v2sf) =	vpush v4, $0x0  }
0x234: {  	(v2sf) =	vpush v5, $0x0;
	_ =	sdelay $0xa  }
0x235: {  	s0 =	sadd.s32 $0x80, s0  }
0x236: {  	v4 =	vld [tilespmem:s0+$0xFFFFFFC0]  }
0x237: {  	v5 =	vld [tilespmem:s0+$0xFFFFFFD0]  }
0x238: {  	v6 =	vld [tilespmem:s0+$0xFFFFFFE0];
	s1 =	spop (v2sf)  }
0x239: {  	v8 =	vld [tilespmem:s0+$0x0];
	s28 =	spop (v2sf)  }
0x23a: {  	v10 =	vld [tilespmem:s0+$0x20];
	p0 =	sgt.s32 s28, s1  }
0x23b: {  	v7 =	vld [tilespmem:s0+$0xFFFFFFF0];
	v4 =	vpsel !p0, $0x0, v4  }
0x23c: {  	v9 =	vld [tilespmem:s0+$0x10];
	v5 =	vpsel !p0, $0x0, v5;
	[tilespmem:s0+$0xFFFFFFC0] =	vst v4  }
0x23d: {  	v6 =	vpsel !p0, $0x0, v6;
	v4 =	vld [tilespmem:s0+$0x30];
	[tilespmem:s0+$0xFFFFFFD0] =	vst v5  }
0x23e: {  	v62 =	vpsel !p0, $0x0, v8;
	[tilespmem:s0+$0xFFFFFFE0] =	vst v6  }
0x23f: {  	v63 =	vpsel !p0, $0x0, v10;
	[tilespmem:s0+$0x0] =	vst v62  }
0x240: {  	v5 =	vpsel !p0, $0x0, v7;
	[tilespmem:s0+$0x20] =	vst v63  }
0x241: {  	[tilespmem:s0+$0xFFFFFFF0] =	vst v5;
	v5 =	vpsel !p0, $0x0, v9  }
0x242: {  	[tilespmem:s0+$0x10] =	vst v5;
	v4 =	vpsel !p0, $0x0, v4  }
0x243: {  	s29 =	rddreg [dreg:$0x5];
	s30 =	simm.s32 $0xAB80;
	[tilespmem:s0+$0x30] =	vst v4  }
0x244: {  	[hbm4b:s29+s3] =	stream.linear.scatter [tilespmem:s30], [sflag:$0x1], $0xA000, $0x38;
	[tilespmem:$0x1CE80] =	vst v63  }
0x245: {  	s23 =	sadd.s32 $0x1, s23;
	_ =	swait.ge [sflag:s14], $0xA000  }
0x246: {  	p0 =	sne.s32 s23, s13;
	[sflag:s14] =	ssyncset.done $0x0  }
.Ltmp12:
0x247: {  	s31 =	simm.s32 $0x14B80;
	[sflag:s14] =	ssyncadd.s32 $0xFFFF6000;
	(pc) =	sbr.rel @p0 .LBB2_1-.Ltmp12, $4  }
0x248: {  	[hbm4b:s12+s3] =	stream.linear.scatter [tilespmem:s31], [sflag:$0x1], $0x500, $0x38;
	[tilespmem:$0x1CE80] =	vst v63  }
0x249: {  	_ =	swait.ge [sflag:s14], $0x500  }
0x24a: {  	[sflag:s14] =	ssyncset.done $0x0  }
0x24b: {  	[sflag:s14] =	ssyncadd.s32 $0xFFFFFB00  }
0x24c: {  	_ =	sfence.sel $0x180000  }
0x24d: {  	[bflag:$0x0] =	sbarrier.arrive $0xFFFF  }
0x24e: {  	_ =	strace $0x90000047  }
0x24f: {  	s0 =	stileid.u32;
	[bflag:$0x2] =	sbarrier.arrive $0xFFFF  }
0x250: {  	p0 =	sne.s32 s0, $0x0;
	s0 =	rddreg [dreg:$0x3]  }
0x251: {  	s0 =	sadd.s32 @!p0 $0x100000, s0  }
0x252: {  	[sflag:s0] =	ssyncadd.tile.s32 @!p0 $0x1;
	_ =	shalt  }
.Lfunc_end2:
_tile_overlayer_lowered:
.L_overlay_start_2:
0x253: {  	(tag) =	ssettag $0x2  }
0x254: {  	s0 =	rddreg [dreg:$0x0];
	s2 =	stileid.u32  }
0x255: {  	s1 =	rddreg [dreg:$0x1];
	p0 =	sne.s32 s2, $0x0  }
0x256: {  	s3 =	rddreg [dreg:$0x2];
	[bflag:$0x3] =	sbarrier.arrive $0xFFFF;
	s2 =	simm.s32 @!p0 $0x1C02  }
0x257: {  	[timem:s3], [sflag:s2] =	dma.local @!p0 [hbm:s0], s1  }
0x258: {  	s0 =	simm.s32 @!p0 $0x2  }
0x259: {  	_ =	swait.ge @!p0 [sflag:s0], s1  }
0x25a: {  	s1 =	ssub.s32 @!p0 $0x0, s1;
	[sflag:s0] =	ssyncset.done @!p0 $0x0  }
0x25b: {  	[sflag:s0] =	ssyncadd.s32 @!p0 s1  }
0x25c: {  	[bflag:$0x3] =	sbarrier.arrive $0xFFFF  }
0x25d: {  	_ =	shalt  }

</sc_bundles>
